<compile_context>
chip_gen: v7x
topology: tpu7x:2x2x1
jax: 0.10.2.dev20260603
libtpu: 0.0.44.dev20260713+nightly
codegen_flags: <defaults>
</compile_context>

<pallas_src>
import functools

import jax
import jax.numpy as jnp
from jax import lax
from jax.experimental import pallas as pl
from jax.experimental.pallas import tpu as pltpu
from jax.experimental.pallas import tpu_sc as plsc

B, C_IN, HW, P = 8, 3, 384, 16
D, DFF, E, NCLS = 768, 3072, 8, 1000
GH = HW // P
NPATCH = GH * GH
NTOK = B * NPATCH
PD = C_IN * P * P
T = 128
NT = NTOK // T + E
NROWS = NT * T
LANE_E = 128
NEG = -1e30

NWORK = 32
RPW = NROWS // NWORK
CH = 16
NCHUNK = RPW // CH
NBUF = 4



def _embed_route_body(x_ref, wc_ref, bc_ref, pe_ref, ws_ref, bs_ref,
                      xf_ref, p_ref, r_ref):
    xr = x_ref[0]
    xp = jnp.transpose(xr, (1, 3, 0, 2, 4)).reshape(NPATCH, PD)
    xf = jnp.dot(xp, wc_ref[...], preferred_element_type=jnp.float32)
    xf = xf + bc_ref[...] + pe_ref[0]
    bits = lax.bitcast_convert_type(xf, jnp.int32)
    r = bits + 0x7FFF + (lax.shift_right_logical(bits, 16) & 1)
    bf = lax.shift_right_logical(r, 16)
    xf_ref[0] = bf[:, : D // 2] | (bf[:, D // 2:] << 16)
    logits = jnp.dot(xf, ws_ref[...], preferred_element_type=jnp.float32)
    logits = logits + bs_ref[...]
    m = jnp.max(logits, axis=-1, keepdims=True)
    ex = jnp.exp(logits - m)
    p_ref[0, 0] = 1.0 / jnp.sum(ex, axis=-1)
    lane = lax.broadcasted_iota(jnp.int32, logits.shape, 1)
    is_max = logits == m
    r_ref[0, 0] = jnp.min(jnp.where(is_max, lane, NTOK), axis=-1).astype(jnp.int32)


def _embed_route(xp, wct, bc2, pe8, ws_pad, bs_pad):
    return pl.pallas_call(
        _embed_route_body,
        grid=(B,),
        in_specs=[
            pl.BlockSpec((1, C_IN, GH, P, GH, P), lambda i: (i, 0, 0, 0, 0, 0)),
            pl.BlockSpec((PD, D), lambda i: (0, 0)),
            pl.BlockSpec((1, D), lambda i: (0, 0)),
            pl.BlockSpec((1, 1, D), lambda i: (i, 0, 0)),
            pl.BlockSpec((D, LANE_E), lambda i: (0, 0)),
            pl.BlockSpec((1, LANE_E), lambda i: (0, 0)),
        ],
        out_specs=[
            pl.BlockSpec((1, NPATCH, D // 2), lambda i: (i, 0, 0)),
            pl.BlockSpec((1, 1, NPATCH), lambda i: (i, 0, 0)),
            pl.BlockSpec((1, 1, NPATCH), lambda i: (i, 0, 0)),
        ],
        out_shape=[
            jax.ShapeDtypeStruct((B, NPATCH, D // 2), jnp.int32),
            jax.ShapeDtypeStruct((B, 1, NPATCH), jnp.float32),
            jax.ShapeDtypeStruct((B, 1, NPATCH), jnp.int32),
        ],
    )(xp, wct, bc2, pe8, ws_pad, bs_pad)



def _sc_gather(xf, idx):
    mesh = plsc.VectorSubcoreMesh(core_axis_name="c", subcore_axis_name="s")

    @functools.partial(
        pl.kernel,
        mesh=mesh,
        out_type=jax.ShapeDtypeStruct((NROWS, D // 2), jnp.int32),
        scratch_types=(
            [pltpu.VMEM((RPW,), jnp.int32)]
            + [pltpu.VMEM((CH, D // 2), jnp.int32) for _ in range(NBUF)]
            + [pltpu.SemaphoreType.DMA for _ in range(NBUF)]
        ),
    )
    def gk(xf_hbm, idx_hbm, out_hbm, idx_v, *bufs_sems):
        bufs, sems = bufs_sems[:NBUF], bufs_sems[NBUF:]
        wid = lax.axis_index("s") * 2 + lax.axis_index("c")
        base = wid * RPW
        pltpu.sync_copy(idx_hbm.at[pl.ds(base, RPW)], idx_v)
        cps = []
        for c in range(NCHUNK):
            if c >= NBUF:
                cps[c - NBUF].wait()
                pltpu.sync_copy(bufs[(c - NBUF) % NBUF],
                                out_hbm.at[pl.ds(base + (c - NBUF) * CH, CH)])
            cp = pltpu.make_async_copy(
                xf_hbm.at[idx_v.at[pl.ds(c * CH, CH)]], bufs[c % NBUF], sems[c % NBUF])
            cp.start()
            cps.append(cp)
        for c in range(NCHUNK - NBUF, NCHUNK):
            cps[c].wait()
            pltpu.sync_copy(bufs[c % NBUF], out_hbm.at[pl.ds(base + c * CH, CH)])

    return gk(xf, idx)



def _moe_body(eid_ref, xs_ref, w1_ref, b1_ref, w_ref, img_ref, s_ref):
    i = pl.program_id(0)
    xi = xs_ref[0]
    lo = lax.bitcast_convert_type(xi << 16, jnp.float32)
    hi = lax.bitcast_convert_type(xi & jnp.int32(-65536), jnp.float32)
    x = jnp.concatenate([lo, hi], axis=1).astype(jnp.bfloat16)
    w1 = w1_ref[0].astype(jnp.bfloat16)
    h = jnp.dot(x, w1, preferred_element_type=jnp.float32) + b1_ref[0]
    h = jnp.maximum(h, 0.0)
    img = img_ref[0, 0]
    w = w_ref[0, 0]
    bidx = lax.broadcasted_iota(jnp.int32, (B, T), 0)
    m = jnp.where(img[None, :] == bidx, w[None, :], 0.0)
    contrib = jnp.dot(m, h, preferred_element_type=jnp.float32)
    first = (i == 0) | (eid_ref[i] != eid_ref[jnp.maximum(i - 1, 0)])

    @pl.when(first)
    def _():
        s_ref[0] = contrib

    @pl.when(jnp.logical_not(first))
    def _():
        s_ref[0] += contrib


def _moe(eid, xs, w1, b1r, wpad, imgpad):
    grid_spec = pltpu.PrefetchScalarGridSpec(
        num_scalar_prefetch=1,
        grid=(NT,),
        in_specs=[
            pl.BlockSpec((1, T, D // 2), lambda i, eid_ref: (i, 0, 0)),
            pl.BlockSpec((1, D, DFF), lambda i, eid_ref: (eid_ref[i], 0, 0)),
            pl.BlockSpec((1, 1, DFF), lambda i, eid_ref: (eid_ref[i], 0, 0)),
            pl.BlockSpec((1, 1, T), lambda i, eid_ref: (i, 0, 0)),
            pl.BlockSpec((1, 1, T), lambda i, eid_ref: (i, 0, 0)),
        ],
        out_specs=pl.BlockSpec((1, B, DFF), lambda i, eid_ref: (eid_ref[i], 0, 0)),
    )
    return pl.pallas_call(
        _moe_body,
        grid_spec=grid_spec,
        out_shape=jax.ShapeDtypeStruct((E, B, DFF), jnp.float32),
    )(eid, xs, w1, b1r, wpad, imgpad)



def _final_body(s_ref, w2_ref, b2_ref, q_ref, wh_ref, bh_ref, out_ref, acc_ref):
    e = pl.program_id(0)

    @pl.when(e == 0)
    def _():
        acc_ref[...] = jnp.zeros_like(acc_ref)

    acc_ref[...] += jnp.dot(s_ref[0], w2_ref[0], preferred_element_type=jnp.float32)

    @pl.when(e == E - 1)
    def _():
        pooled = acc_ref[...] + jnp.dot(
            q_ref[...][:, :E], b2_ref[...], preferred_element_type=jnp.float32)
        out_ref[...] = jnp.dot(
            pooled, wh_ref[...], preferred_element_type=jnp.float32) + bh_ref[...]


def _final(s, w2, b2, q, wh, bh2):
    return pl.pallas_call(
        _final_body,
        grid=(E,),
        in_specs=[
            pl.BlockSpec((1, B, DFF), lambda e: (e, 0, 0)),
            pl.BlockSpec((1, DFF, D), lambda e: (e, 0, 0)),
            pl.BlockSpec((E, D), lambda e: (0, 0)),
            pl.BlockSpec((B, LANE_E), lambda e: (0, 0)),
            pl.BlockSpec((D, NCLS), lambda e: (0, 0)),
            pl.BlockSpec((1, NCLS), lambda e: (0, 0)),
        ],
        out_specs=pl.BlockSpec((B, NCLS), lambda e: (0, 0)),
        out_shape=jax.ShapeDtypeStruct((B, NCLS), jnp.float32),
        scratch_shapes=[pltpu.VMEM((B, D), jnp.float32)],
    )(s, w2, b2, q, wh, bh2)



def kernel(x, Wc, bc, pe, Ws, bs, W1, b1, W2, b2, Wh, bh):
    f32 = jnp.float32
    xp = x.reshape(B, C_IN, GH, P, GH, P)
    wct = Wc.reshape(D, PD).T
    ws_pad = jnp.zeros((D, LANE_E), f32).at[:, :E].set(Ws)
    bs_pad = jnp.full((1, LANE_E), NEG, f32).at[0, :E].set(bs)
    pe8 = pe[:B].reshape(B, 1, D)

    xf3, p3, r3 = _embed_route(xp, wct, bc.reshape(1, D), pe8, ws_pad, bs_pad)
    xf = xf3.reshape(NTOK, D // 2)
    p = p3.reshape(NTOK)
    routes = r3.reshape(NTOK)

    tok = jnp.arange(NTOK, dtype=jnp.int32)
    R = (routes[:, None] == jnp.arange(E, dtype=jnp.int32)[None, :]).astype(jnp.int32)
    csum = jnp.cumsum(R, axis=0)
    counts = csum[-1]
    rank = jnp.sum((csum - R) * R, axis=1)
    prows = jnp.maximum((counts + T - 1) // T, 1) * T
    pstarts = jnp.concatenate(
        [jnp.zeros((1,), jnp.int32), jnp.cumsum(prows)[:-1].astype(jnp.int32)])
    dest = pstarts[routes] + rank
    idxpad = jnp.zeros((NROWS,), jnp.int32).at[dest].set(tok)
    wpad = jnp.zeros((NROWS,), f32).at[dest].set(p)
    imgpad = jnp.zeros((NROWS,), jnp.int32).at[dest].set(tok // NPATCH)

    tile_pos = jnp.arange(NT, dtype=jnp.int32) * T
    eid = jnp.clip(
        jnp.searchsorted(pstarts, tile_pos, side="right").astype(jnp.int32) - 1,
        0, E - 1)

    xs = _sc_gather(xf, idxpad).reshape(NT, T, D // 2)
    s = _moe(eid, xs, W1, b1.reshape(E, 1, DFF),
             wpad.reshape(NT, 1, T), imgpad.reshape(NT, 1, T))

    q = jnp.zeros((B, LANE_E), f32).at[tok // NPATCH, routes].add(p)
    return _final(s, W2, b2, q, Wh, bh.reshape(1, NCLS))

# --- scband reference (transcript-rebuilt; emitter-appended) ---
"""Pipeline reference for scband-vision-transformer-mo-e-3453153706568 (READ-ONLY COPY).

The authoritative reference and input builder live on the scoring server;
editing this copy changes nothing except your own understanding.
"""

import jax, jax.numpy as jnp
import numpy as np

B, C_IN, HW, P = 8, 3, 384, 16
D, DFF, E, NCLS, MAXLEN = 768, 3072, 8, 1000, 5000

def setup_inputs(seed: int = 0) -> dict:
    key = jax.random.key(seed)
    ks = jax.random.split(key, 12)
    x = jax.random.normal(ks[0], (B, C_IN, HW, HW), dtype=jnp.float32)
    Wc = jax.random.normal(ks[1], (D, C_IN, P, P), dtype=jnp.float32) * 0.02
    bc = jnp.zeros((D,), dtype=jnp.float32)
    pe = jnp.zeros((MAXLEN, 1, D), dtype=jnp.float32)
    Ws = jax.random.normal(ks[2], (D, E), dtype=jnp.float32) * 0.02
    bs = jnp.zeros((E,), dtype=jnp.float32)
    W1 = jax.random.normal(ks[3], (E, D, DFF), dtype=jnp.float32) * 0.02
    b1 = jnp.zeros((E, DFF), dtype=jnp.float32)
    W2 = jax.random.normal(ks[4], (E, DFF, D), dtype=jnp.float32) * 0.02
    b2 = jnp.zeros((E, D), dtype=jnp.float32)
    Wh = jax.random.normal(ks[5], (D, NCLS), dtype=jnp.float32) * 0.02
    bh = jnp.zeros((NCLS,), dtype=jnp.float32)
    return {"x": x, "Wc": Wc, "bc": bc, "pe": pe, "Ws": Ws, "bs": bs, "W1": W1, "b1": b1, "W2": W2, "b2": b2, "Wh": Wh, "bh": bh}

def reference(x, Wc, bc, pe, Ws, bs, W1, b1, W2, b2, Wh, bh):
    # PatchEmbeddings: conv stride=patch, then b c h w -> b (h w) c
    y = jax.lax.conv_general_dilated(x, Wc, window_strides=(P, P), padding='VALID',
                                     dimension_numbers=('NCHW', 'OIHW', 'NCHW'))
    y = y + bc[None, :, None, None]
    b, c, h, w = y.shape
    y = jnp.transpose(y, (0, 2, 3, 1)).reshape(b, h * w, c)
    # LearnedPositionalEmbeddings: x + pe[:len(x)] (broadcast over dim 1)
    y = y + pe[:b]
    # SwitchFeedForward (top-1 routing, drop_tokens=False, is_scale_prob=True)
    xf = y.reshape(-1, c)
    logits = xf @ Ws + bs
    probs = jax.nn.softmax(logits, axis=-1)
    route_prob_max = jnp.max(probs, axis=-1)
    routes = jnp.argmax(probs, axis=-1)
    final = jnp.zeros_like(xf)
    for e in range(E):
        mask = (routes == e).astype(xf.dtype)[:, None]
        h1 = jax.nn.relu(xf @ W1[e] + b1[e])
        oe = h1 @ W2[e] + b2[e]
        final = final + mask * oe
    final = final * route_prob_max[:, None]
    out = final.reshape(b, h * w, c)
    pooled = jnp.sum(out, axis=1)
    return pooled @ Wh + bh

if __name__ == "__main__":
    import jax
    _d = setup_inputs()
    print(jax.jit(kernel)(*tuple(_d.values())))

</pallas_src>

<mosaic_0001>
#map = affine_map<(d0, d1) -> (0, 0)>
#map1 = affine_map<(d0, d1) -> (0)>
module attributes {stable_mosaic.version = 14 : i64} {
  func.func @gk(%arg0: i32, %arg1: i32, %arg2: memref<4608x384xi32, #tpu.memory_space<hbm>>, %arg3: memref<5632xi32, #tpu.memory_space<hbm>>, %arg4: memref<5632x384xi32, #tpu.memory_space<hbm>>, %arg5: memref<176xi32, #tpu.memory_space<vmem>>, %arg6: memref<16x384xi32, #tpu.memory_space<vmem>>, %arg7: memref<16x384xi32, #tpu.memory_space<vmem>>, %arg8: memref<16x384xi32, #tpu.memory_space<vmem>>, %arg9: memref<16x384xi32, #tpu.memory_space<vmem>>, %arg10: memref<!tpu.dma_semaphore, #tpu.memory_space<semaphore_mem>>, %arg11: memref<!tpu.dma_semaphore, #tpu.memory_space<semaphore_mem>>, %arg12: memref<!tpu.dma_semaphore, #tpu.memory_space<semaphore_mem>>, %arg13: memref<!tpu.dma_semaphore, #tpu.memory_space<semaphore_mem>>) attributes {dimension_semantics = [#tpu.dimension_semantics<core_parallel>, #tpu.dimension_semantics<subcore_parallel>], iteration_bounds = array<i64: 2, 16>, scalar_prefetch = 0 : i64, scratch_operands = 9 : i64, tpu.core_type = #tpu.core_type<sc_vector_subcore>, window_params = [{transform_indices = #map}, {transform_indices = #map1}, {transform_indices = #map}]} {
    %mul3A = arith.constant 2 : i32
    %mul3A_0 = arith.muli %arg1, %mul3A : i32
    %add3A = arith.addi %mul3A_0, %arg0 : i32
    %mul3A_1 = arith.constant 176 : i32
    %mul3A_2 = arith.muli %add3A, %mul3A_1 : i32
    "tpu.region"() ({
      %run_scoped3A = tpu.sem_alloc : memref<!tpu.dma_semaphore, #tpu.memory_space<semaphore_mem>>
      %dma_start3A_133 = tpu.memref_slice %arg3[%mul3A_2] : memref<5632xi32, #tpu.memory_space<hbm>> -> memref<176xi32, #tpu.memory_space<hbm>>
      %dma_start3A_134 = tpu.memref_slice %arg3[%mul3A_2] : memref<5632xi32, #tpu.memory_space<hbm>> -> memref<176xi32, #tpu.memory_space<hbm>>
      tpu.enqueue_dma source(%dma_start3A_134 : memref<176xi32, #tpu.memory_space<hbm>>) target(%arg5 : memref<176xi32, #tpu.memory_space<vmem>>) target_semaphore(%run_scoped3A : memref<!tpu.dma_semaphore, #tpu.memory_space<semaphore_mem>>)
      %dma_wait3A_135 = tpu.memref_slice %arg3[%mul3A_2] : memref<5632xi32, #tpu.memory_space<hbm>> -> memref<176xi32, #tpu.memory_space<hbm>>
      %dma_wait3A_136 = tpu.memref_slice %arg3[%mul3A_2] : memref<5632xi32, #tpu.memory_space<hbm>> -> memref<176xi32, #tpu.memory_space<hbm>>
      tpu.wait_dma2 semaphore(%run_scoped3A : memref<!tpu.dma_semaphore, #tpu.memory_space<semaphore_mem>>) src(%dma_wait3A_136 : memref<176xi32, #tpu.memory_space<hbm>>) dst(%arg5 : memref<176xi32, #tpu.memory_space<vmem>>)
      tpu.yield
    }) : () -> ()
    %dma_start3A = arith.constant 0 : i32
    %dma_start3A_3 = tpu.memref_slice %arg5[%dma_start3A] : memref<176xi32, #tpu.memory_space<vmem>> -> memref<16xi32, #tpu.memory_space<vmem>>
    %dma_start3A_4 = arith.constant 0 : i32
    %dma_start3A_5 = arith.constant 0 : i32
    %dma_start3A_6 = tpu.memref_slice %arg2[%dma_start3A_4, %dma_start3A_5] : memref<4608x384xi32, #tpu.memory_space<hbm>> -> memref<4608x384xi32, #tpu.memory_space<hbm>>
    tpu.enqueue_indirect_dma source(%dma_start3A_6 : memref<4608x384xi32, #tpu.memory_space<hbm>>) target(%arg6 : memref<16x384xi32, #tpu.memory_space<vmem>>) offsets(%dma_start3A_3 : memref<16xi32, #tpu.memory_space<vmem>>) semaphore(%arg10 : memref<!tpu.dma_semaphore, #tpu.memory_space<semaphore_mem>>)
    %dma_start3A_7 = arith.constant 16 : i32
    %dma_start3A_8 = tpu.memref_slice %arg5[%dma_start3A_7] : memref<176xi32, #tpu.memory_space<vmem>> -> memref<16xi32, #tpu.memory_space<vmem>>
    %dma_start3A_9 = arith.constant 0 : i32
    %dma_start3A_10 = arith.constant 0 : i32
    %dma_start3A_11 = tpu.memref_slice %arg2[%dma_start3A_9, %dma_start3A_10] : memref<4608x384xi32, #tpu.memory_space<hbm>> -> memref<4608x384xi32, #tpu.memory_space<hbm>>
    tpu.enqueue_indirect_dma source(%dma_start3A_11 : memref<4608x384xi32, #tpu.memory_space<hbm>>) target(%arg7 : memref<16x384xi32, #tpu.memory_space<vmem>>) offsets(%dma_start3A_8 : memref<16xi32, #tpu.memory_space<vmem>>) semaphore(%arg11 : memref<!tpu.dma_semaphore, #tpu.memory_space<semaphore_mem>>)
    %dma_start3A_12 = arith.constant 32 : i32
    %dma_start3A_13 = tpu.memref_slice %arg5[%dma_start3A_12] : memref<176xi32, #tpu.memory_space<vmem>> -> memref<16xi32, #tpu.memory_space<vmem>>
    %dma_start3A_14 = arith.constant 0 : i32
    %dma_start3A_15 = arith.constant 0 : i32
    %dma_start3A_16 = tpu.memref_slice %arg2[%dma_start3A_14, %dma_start3A_15] : memref<4608x384xi32, #tpu.memory_space<hbm>> -> memref<4608x384xi32, #tpu.memory_space<hbm>>
    tpu.enqueue_indirect_dma source(%dma_start3A_16 : memref<4608x384xi32, #tpu.memory_space<hbm>>) target(%arg8 : memref<16x384xi32, #tpu.memory_space<vmem>>) offsets(%dma_start3A_13 : memref<16xi32, #tpu.memory_space<vmem>>) semaphore(%arg12 : memref<!tpu.dma_semaphore, #tpu.memory_space<semaphore_mem>>)
    %dma_start3A_17 = arith.constant 48 : i32
    %dma_start3A_18 = tpu.memref_slice %arg5[%dma_start3A_17] : memref<176xi32, #tpu.memory_space<vmem>> -> memref<16xi32, #tpu.memory_space<vmem>>
    %dma_start3A_19 = arith.constant 0 : i32
    %dma_start3A_20 = arith.constant 0 : i32
    %dma_start3A_21 = tpu.memref_slice %arg2[%dma_start3A_19, %dma_start3A_20] : memref<4608x384xi32, #tpu.memory_space<hbm>> -> memref<4608x384xi32, #tpu.memory_space<hbm>>
    tpu.enqueue_indirect_dma source(%dma_start3A_21 : memref<4608x384xi32, #tpu.memory_space<hbm>>) target(%arg9 : memref<16x384xi32, #tpu.memory_space<vmem>>) offsets(%dma_start3A_18 : memref<16xi32, #tpu.memory_space<vmem>>) semaphore(%arg13 : memref<!tpu.dma_semaphore, #tpu.memory_space<semaphore_mem>>)
    %dma_wait3A = arith.constant 0 : i32
    %dma_wait3A_22 = tpu.memref_slice %arg5[%dma_wait3A] : memref<176xi32, #tpu.memory_space<vmem>> -> memref<16xi32, #tpu.memory_space<vmem>>
    %dma_wait3A_23 = arith.constant 0 : i32
    %dma_wait3A_24 = arith.constant 0 : i32
    %dma_wait3A_25 = tpu.memref_slice %arg2[%dma_wait3A_23, %dma_wait3A_24] : memref<4608x384xi32, #tpu.memory_space<hbm>> -> memref<4608x384xi32, #tpu.memory_space<hbm>>
    tpu.wait_indirect_dma semaphore(%arg10 : memref<!tpu.dma_semaphore, #tpu.memory_space<semaphore_mem>>) src(%dma_wait3A_25 : memref<4608x384xi32, #tpu.memory_space<hbm>>) dst(%arg6 : memref<16x384xi32, #tpu.memory_space<vmem>>)
    %add3A_26 = arith.constant 0 : i32
    %add3A_27 = arith.addi %mul3A_2, %add3A_26 : i32
    "tpu.region"() ({
      %run_scoped3A = tpu.sem_alloc : memref<!tpu.dma_semaphore, #tpu.memory_space<semaphore_mem>>
      %dma_start3A_133 = arith.constant 0 : i32
      %dma_start3A_134 = tpu.memref_slice %arg4[%add3A_27, %dma_start3A_133] : memref<5632x384xi32, #tpu.memory_space<hbm>> -> memref<16x384xi32, #tpu.memory_space<hbm>>
      %dma_start3A_135 = arith.constant 0 : i32
      %dma_start3A_136 = tpu.memref_slice %arg4[%add3A_27, %dma_start3A_135] : memref<5632x384xi32, #tpu.memory_space<hbm>> -> memref<16x384xi32, #tpu.memory_space<hbm>>
      tpu.enqueue_dma source(%arg6 : memref<16x384xi32, #tpu.memory_space<vmem>>) target(%dma_start3A_136 : memref<16x384xi32, #tpu.memory_space<hbm>>) target_semaphore(%run_scoped3A : memref<!tpu.dma_semaphore, #tpu.memory_space<semaphore_mem>>)
      %dma_wait3A_137 = arith.constant 0 : i32
      %dma_wait3A_138 = tpu.memref_slice %arg4[%add3A_27, %dma_wait3A_137] : memref<5632x384xi32, #tpu.memory_space<hbm>> -> memref<16x384xi32, #tpu.memory_space<hbm>>
      %dma_wait3A_139 = arith.constant 0 : i32
      %dma_wait3A_140 = tpu.memref_slice %arg4[%add3A_27, %dma_wait3A_139] : memref<5632x384xi32, #tpu.memory_space<hbm>> -> memref<16x384xi32, #tpu.memory_space<hbm>>
      tpu.wait_dma2 semaphore(%run_scoped3A : memref<!tpu.dma_semaphore, #tpu.memory_space<semaphore_mem>>) src(%arg6 : memref<16x384xi32, #tpu.memory_space<vmem>>) dst(%dma_wait3A_140 : memref<16x384xi32, #tpu.memory_space<hbm>>)
      tpu.yield
    }) : () -> ()
    %dma_start3A_28 = arith.constant 64 : i32
    %dma_start3A_29 = tpu.memref_slice %arg5[%dma_start3A_28] : memref<176xi32, #tpu.memory_space<vmem>> -> memref<16xi32, #tpu.memory_space<vmem>>
    %dma_start3A_30 = arith.constant 0 : i32
    %dma_start3A_31 = arith.constant 0 : i32
    %dma_start3A_32 = tpu.memref_slice %arg2[%dma_start3A_30, %dma_start3A_31] : memref<4608x384xi32, #tpu.memory_space<hbm>> -> memref<4608x384xi32, #tpu.memory_space<hbm>>
    tpu.enqueue_indirect_dma source(%dma_start3A_32 : memref<4608x384xi32, #tpu.memory_space<hbm>>) target(%arg6 : memref<16x384xi32, #tpu.memory_space<vmem>>) offsets(%dma_start3A_29 : memref<16xi32, #tpu.memory_space<vmem>>) semaphore(%arg10 : memref<!tpu.dma_semaphore, #tpu.memory_space<semaphore_mem>>)
    %dma_wait3A_33 = arith.constant 16 : i32
    %dma_wait3A_34 = tpu.memref_slice %arg5[%dma_wait3A_33] : memref<176xi32, #tpu.memory_space<vmem>> -> memref<16xi32, #tpu.memory_space<vmem>>
    %dma_wait3A_35 = arith.constant 0 : i32
    %dma_wait3A_36 = arith.constant 0 : i32
    %dma_wait3A_37 = tpu.memref_slice %arg2[%dma_wait3A_35, %dma_wait3A_36] : memref<4608x384xi32, #tpu.memory_space<hbm>> -> memref<4608x384xi32, #tpu.memory_space<hbm>>
    tpu.wait_indirect_dma semaphore(%arg11 : memref<!tpu.dma_semaphore, #tpu.memory_space<semaphore_mem>>) src(%dma_wait3A_37 : memref<4608x384xi32, #tpu.memory_space<hbm>>) dst(%arg7 : memref<16x384xi32, #tpu.memory_space<vmem>>)
    %add3A_38 = arith.constant 16 : i32
    %add3A_39 = arith.addi %mul3A_2, %add3A_38 : i32
    "tpu.region"() ({
      %run_scoped3A = tpu.sem_alloc : memref<!tpu.dma_semaphore, #tpu.memory_space<semaphore_mem>>
      %dma_start3A_133 = arith.constant 0 : i32
      %dma_start3A_134 = tpu.memref_slice %arg4[%add3A_39, %dma_start3A_133] : memref<5632x384xi32, #tpu.memory_space<hbm>> -> memref<16x384xi32, #tpu.memory_space<hbm>>
      %dma_start3A_135 = arith.constant 0 : i32
      %dma_start3A_136 = tpu.memref_slice %arg4[%add3A_39, %dma_start3A_135] : memref<5632x384xi32, #tpu.memory_space<hbm>> -> memref<16x384xi32, #tpu.memory_space<hbm>>
      tpu.enqueue_dma source(%arg7 : memref<16x384xi32, #tpu.memory_space<vmem>>) target(%dma_start3A_136 : memref<16x384xi32, #tpu.memory_space<hbm>>) target_semaphore(%run_scoped3A : memref<!tpu.dma_semaphore, #tpu.memory_space<semaphore_mem>>)
      %dma_wait3A_137 = arith.constant 0 : i32
      %dma_wait3A_138 = tpu.memref_slice %arg4[%add3A_39, %dma_wait3A_137] : memref<5632x384xi32, #tpu.memory_space<hbm>> -> memref<16x384xi32, #tpu.memory_space<hbm>>
      %dma_wait3A_139 = arith.constant 0 : i32
      %dma_wait3A_140 = tpu.memref_slice %arg4[%add3A_39, %dma_wait3A_139] : memref<5632x384xi32, #tpu.memory_space<hbm>> -> memref<16x384xi32, #tpu.memory_space<hbm>>
      tpu.wait_dma2 semaphore(%run_scoped3A : memref<!tpu.dma_semaphore, #tpu.memory_space<semaphore_mem>>) src(%arg7 : memref<16x384xi32, #tpu.memory_space<vmem>>) dst(%dma_wait3A_140 : memref<16x384xi32, #tpu.memory_space<hbm>>)
      tpu.yield
    }) : () -> ()
    %dma_start3A_40 = arith.constant 80 : i32
    %dma_start3A_41 = tpu.memref_slice %arg5[%dma_start3A_40] : memref<176xi32, #tpu.memory_space<vmem>> -> memref<16xi32, #tpu.memory_space<vmem>>
    %dma_start3A_42 = arith.constant 0 : i32
    %dma_start3A_43 = arith.constant 0 : i32
    %dma_start3A_44 = tpu.memref_slice %arg2[%dma_start3A_42, %dma_start3A_43] : memref<4608x384xi32, #tpu.memory_space<hbm>> -> memref<4608x384xi32, #tpu.memory_space<hbm>>
    tpu.enqueue_indirect_dma source(%dma_start3A_44 : memref<4608x384xi32, #tpu.memory_space<hbm>>) target(%arg7 : memref<16x384xi32, #tpu.memory_space<vmem>>) offsets(%dma_start3A_41 : memref<16xi32, #tpu.memory_space<vmem>>) semaphore(%arg11 : memref<!tpu.dma_semaphore, #tpu.memory_space<semaphore_mem>>)
    %dma_wait3A_45 = arith.constant 32 : i32
    %dma_wait3A_46 = tpu.memref_slice %arg5[%dma_wait3A_45] : memref<176xi32, #tpu.memory_space<vmem>> -> memref<16xi32, #tpu.memory_space<vmem>>
    %dma_wait3A_47 = arith.constant 0 : i32
    %dma_wait3A_48 = arith.constant 0 : i32
    %dma_wait3A_49 = tpu.memref_slice %arg2[%dma_wait3A_47, %dma_wait3A_48] : memref<4608x384xi32, #tpu.memory_space<hbm>> -> memref<4608x384xi32, #tpu.memory_space<hbm>>
    tpu.wait_indirect_dma semaphore(%arg12 : memref<!tpu.dma_semaphore, #tpu.memory_space<semaphore_mem>>) src(%dma_wait3A_49 : memref<4608x384xi32, #tpu.memory_space<hbm>>) dst(%arg8 : memref<16x384xi32, #tpu.memory_space<vmem>>)
    %add3A_50 = arith.constant 32 : i32
    %add3A_51 = arith.addi %mul3A_2, %add3A_50 : i32
    "tpu.region"() ({
      %run_scoped3A = tpu.sem_alloc : memref<!tpu.dma_semaphore, #tpu.memory_space<semaphore_mem>>
      %dma_start3A_133 = arith.constant 0 : i32
      %dma_start3A_134 = tpu.memref_slice %arg4[%add3A_51, %dma_start3A_133] : memref<5632x384xi32, #tpu.memory_space<hbm>> -> memref<16x384xi32, #tpu.memory_space<hbm>>
      %dma_start3A_135 = arith.constant 0 : i32
      %dma_start3A_136 = tpu.memref_slice %arg4[%add3A_51, %dma_start3A_135] : memref<5632x384xi32, #tpu.memory_space<hbm>> -> memref<16x384xi32, #tpu.memory_space<hbm>>
      tpu.enqueue_dma source(%arg8 : memref<16x384xi32, #tpu.memory_space<vmem>>) target(%dma_start3A_136 : memref<16x384xi32, #tpu.memory_space<hbm>>) target_semaphore(%run_scoped3A : memref<!tpu.dma_semaphore, #tpu.memory_space<semaphore_mem>>)
      %dma_wait3A_137 = arith.constant 0 : i32
      %dma_wait3A_138 = tpu.memref_slice %arg4[%add3A_51, %dma_wait3A_137] : memref<5632x384xi32, #tpu.memory_space<hbm>> -> memref<16x384xi32, #tpu.memory_space<hbm>>
      %dma_wait3A_139 = arith.constant 0 : i32
      %dma_wait3A_140 = tpu.memref_slice %arg4[%add3A_51, %dma_wait3A_139] : memref<5632x384xi32, #tpu.memory_space<hbm>> -> memref<16x384xi32, #tpu.memory_space<hbm>>
      tpu.wait_dma2 semaphore(%run_scoped3A : memref<!tpu.dma_semaphore, #tpu.memory_space<semaphore_mem>>) src(%arg8 : memref<16x384xi32, #tpu.memory_space<vmem>>) dst(%dma_wait3A_140 : memref<16x384xi32, #tpu.memory_space<hbm>>)
      tpu.yield
    }) : () -> ()
    %dma_start3A_52 = arith.constant 96 : i32
    %dma_start3A_53 = tpu.memref_slice %arg5[%dma_start3A_52] : memref<176xi32, #tpu.memory_space<vmem>> -> memref<16xi32, #tpu.memory_space<vmem>>
    %dma_start3A_54 = arith.constant 0 : i32
    %dma_start3A_55 = arith.constant 0 : i32
    %dma_start3A_56 = tpu.memref_slice %arg2[%dma_start3A_54, %dma_start3A_55] : memref<4608x384xi32, #tpu.memory_space<hbm>> -> memref<4608x384xi32, #tpu.memory_space<hbm>>
    tpu.enqueue_indirect_dma source(%dma_start3A_56 : memref<4608x384xi32, #tpu.memory_space<hbm>>) target(%arg8 : memref<16x384xi32, #tpu.memory_space<vmem>>) offsets(%dma_start3A_53 : memref<16xi32, #tpu.memory_space<vmem>>) semaphore(%arg12 : memref<!tpu.dma_semaphore, #tpu.memory_space<semaphore_mem>>)
    %dma_wait3A_57 = arith.constant 48 : i32
    %dma_wait3A_58 = tpu.memref_slice %arg5[%dma_wait3A_57] : memref<176xi32, #tpu.memory_space<vmem>> -> memref<16xi32, #tpu.memory_space<vmem>>
    %dma_wait3A_59 = arith.constant 0 : i32
    %dma_wait3A_60 = arith.constant 0 : i32
    %dma_wait3A_61 = tpu.memref_slice %arg2[%dma_wait3A_59, %dma_wait3A_60] : memref<4608x384xi32, #tpu.memory_space<hbm>> -> memref<4608x384xi32, #tpu.memory_space<hbm>>
    tpu.wait_indirect_dma semaphore(%arg13 : memref<!tpu.dma_semaphore, #tpu.memory_space<semaphore_mem>>) src(%dma_wait3A_61 : memref<4608x384xi32, #tpu.memory_space<hbm>>) dst(%arg9 : memref<16x384xi32, #tpu.memory_space<vmem>>)
    %add3A_62 = arith.constant 48 : i32
    %add3A_63 = arith.addi %mul3A_2, %add3A_62 : i32
    "tpu.region"() ({
      %run_scoped3A = tpu.sem_alloc : memref<!tpu.dma_semaphore, #tpu.memory_space<semaphore_mem>>
      %dma_start3A_133 = arith.constant 0 : i32
      %dma_start3A_134 = tpu.memref_slice %arg4[%add3A_63, %dma_start3A_133] : memref<5632x384xi32, #tpu.memory_space<hbm>> -> memref<16x384xi32, #tpu.memory_space<hbm>>
      %dma_start3A_135 = arith.constant 0 : i32
      %dma_start3A_136 = tpu.memref_slice %arg4[%add3A_63, %dma_start3A_135] : memref<5632x384xi32, #tpu.memory_space<hbm>> -> memref<16x384xi32, #tpu.memory_space<hbm>>
      tpu.enqueue_dma source(%arg9 : memref<16x384xi32, #tpu.memory_space<vmem>>) target(%dma_start3A_136 : memref<16x384xi32, #tpu.memory_space<hbm>>) target_semaphore(%run_scoped3A : memref<!tpu.dma_semaphore, #tpu.memory_space<semaphore_mem>>)
      %dma_wait3A_137 = arith.constant 0 : i32
      %dma_wait3A_138 = tpu.memref_slice %arg4[%add3A_63, %dma_wait3A_137] : memref<5632x384xi32, #tpu.memory_space<hbm>> -> memref<16x384xi32, #tpu.memory_space<hbm>>
      %dma_wait3A_139 = arith.constant 0 : i32
      %dma_wait3A_140 = tpu.memref_slice %arg4[%add3A_63, %dma_wait3A_139] : memref<5632x384xi32, #tpu.memory_space<hbm>> -> memref<16x384xi32, #tpu.memory_space<hbm>>
      tpu.wait_dma2 semaphore(%run_scoped3A : memref<!tpu.dma_semaphore, #tpu.memory_space<semaphore_mem>>) src(%arg9 : memref<16x384xi32, #tpu.memory_space<vmem>>) dst(%dma_wait3A_140 : memref<16x384xi32, #tpu.memory_space<hbm>>)
      tpu.yield
    }) : () -> ()
    %dma_start3A_64 = arith.constant 112 : i32
    %dma_start3A_65 = tpu.memref_slice %arg5[%dma_start3A_64] : memref<176xi32, #tpu.memory_space<vmem>> -> memref<16xi32, #tpu.memory_space<vmem>>
    %dma_start3A_66 = arith.constant 0 : i32
    %dma_start3A_67 = arith.constant 0 : i32
    %dma_start3A_68 = tpu.memref_slice %arg2[%dma_start3A_66, %dma_start3A_67] : memref<4608x384xi32, #tpu.memory_space<hbm>> -> memref<4608x384xi32, #tpu.memory_space<hbm>>
    tpu.enqueue_indirect_dma source(%dma_start3A_68 : memref<4608x384xi32, #tpu.memory_space<hbm>>) target(%arg9 : memref<16x384xi32, #tpu.memory_space<vmem>>) offsets(%dma_start3A_65 : memref<16xi32, #tpu.memory_space<vmem>>) semaphore(%arg13 : memref<!tpu.dma_semaphore, #tpu.memory_space<semaphore_mem>>)
    %dma_wait3A_69 = arith.constant 64 : i32
    %dma_wait3A_70 = tpu.memref_slice %arg5[%dma_wait3A_69] : memref<176xi32, #tpu.memory_space<vmem>> -> memref<16xi32, #tpu.memory_space<vmem>>
    %dma_wait3A_71 = arith.constant 0 : i32
    %dma_wait3A_72 = arith.constant 0 : i32
    %dma_wait3A_73 = tpu.memref_slice %arg2[%dma_wait3A_71, %dma_wait3A_72] : memref<4608x384xi32, #tpu.memory_space<hbm>> -> memref<4608x384xi32, #tpu.memory_space<hbm>>
    tpu.wait_indirect_dma semaphore(%arg10 : memref<!tpu.dma_semaphore, #tpu.memory_space<semaphore_mem>>) src(%dma_wait3A_73 : memref<4608x384xi32, #tpu.memory_space<hbm>>) dst(%arg6 : memref<16x384xi32, #tpu.memory_space<vmem>>)
    %add3A_74 = arith.constant 64 : i32
    %add3A_75 = arith.addi %mul3A_2, %add3A_74 : i32
    "tpu.region"() ({
      %run_scoped3A = tpu.sem_alloc : memref<!tpu.dma_semaphore, #tpu.memory_space<semaphore_mem>>
      %dma_start3A_133 = arith.constant 0 : i32
      %dma_start3A_134 = tpu.memref_slice %arg4[%add3A_75, %dma_start3A_133] : memref<5632x384xi32, #tpu.memory_space<hbm>> -> memref<16x384xi32, #tpu.memory_space<hbm>>
      %dma_start3A_135 = arith.constant 0 : i32
      %dma_start3A_136 = tpu.memref_slice %arg4[%add3A_75, %dma_start3A_135] : memref<5632x384xi32, #tpu.memory_space<hbm>> -> memref<16x384xi32, #tpu.memory_space<hbm>>
      tpu.enqueue_dma source(%arg6 : memref<16x384xi32, #tpu.memory_space<vmem>>) target(%dma_start3A_136 : memref<16x384xi32, #tpu.memory_space<hbm>>) target_semaphore(%run_scoped3A : memref<!tpu.dma_semaphore, #tpu.memory_space<semaphore_mem>>)
      %dma_wait3A_137 = arith.constant 0 : i32
      %dma_wait3A_138 = tpu.memref_slice %arg4[%add3A_75, %dma_wait3A_137] : memref<5632x384xi32, #tpu.memory_space<hbm>> -> memref<16x384xi32, #tpu.memory_space<hbm>>
      %dma_wait3A_139 = arith.constant 0 : i32
      %dma_wait3A_140 = tpu.memref_slice %arg4[%add3A_75, %dma_wait3A_139] : memref<5632x384xi32, #tpu.memory_space<hbm>> -> memref<16x384xi32, #tpu.memory_space<hbm>>
      tpu.wait_dma2 semaphore(%run_scoped3A : memref<!tpu.dma_semaphore, #tpu.memory_space<semaphore_mem>>) src(%arg6 : memref<16x384xi32, #tpu.memory_space<vmem>>) dst(%dma_wait3A_140 : memref<16x384xi32, #tpu.memory_space<hbm>>)
      tpu.yield
    }) : () -> ()
    %dma_start3A_76 = arith.constant 128 : i32
    %dma_start3A_77 = tpu.memref_slice %arg5[%dma_start3A_76] : memref<176xi32, #tpu.memory_space<vmem>> -> memref<16xi32, #tpu.memory_space<vmem>>
    %dma_start3A_78 = arith.constant 0 : i32
    %dma_start3A_79 = arith.constant 0 : i32
    %dma_start3A_80 = tpu.memref_slice %arg2[%dma_start3A_78, %dma_start3A_79] : memref<4608x384xi32, #tpu.memory_space<hbm>> -> memref<4608x384xi32, #tpu.memory_space<hbm>>
    tpu.enqueue_indirect_dma source(%dma_start3A_80 : memref<4608x384xi32, #tpu.memory_space<hbm>>) target(%arg6 : memref<16x384xi32, #tpu.memory_space<vmem>>) offsets(%dma_start3A_77 : memref<16xi32, #tpu.memory_space<vmem>>) semaphore(%arg10 : memref<!tpu.dma_semaphore, #tpu.memory_space<semaphore_mem>>)
    %dma_wait3A_81 = arith.constant 80 : i32
    %dma_wait3A_82 = tpu.memref_slice %arg5[%dma_wait3A_81] : memref<176xi32, #tpu.memory_space<vmem>> -> memref<16xi32, #tpu.memory_space<vmem>>
    %dma_wait3A_83 = arith.constant 0 : i32
    %dma_wait3A_84 = arith.constant 0 : i32
    %dma_wait3A_85 = tpu.memref_slice %arg2[%dma_wait3A_83, %dma_wait3A_84] : memref<4608x384xi32, #tpu.memory_space<hbm>> -> memref<4608x384xi32, #tpu.memory_space<hbm>>
    tpu.wait_indirect_dma semaphore(%arg11 : memref<!tpu.dma_semaphore, #tpu.memory_space<semaphore_mem>>) src(%dma_wait3A_85 : memref<4608x384xi32, #tpu.memory_space<hbm>>) dst(%arg7 : memref<16x384xi32, #tpu.memory_space<vmem>>)
    %add3A_86 = arith.constant 80 : i32
    %add3A_87 = arith.addi %mul3A_2, %add3A_86 : i32
    "tpu.region"() ({
      %run_scoped3A = tpu.sem_alloc : memref<!tpu.dma_semaphore, #tpu.memory_space<semaphore_mem>>
      %dma_start3A_133 = arith.constant 0 : i32
      %dma_start3A_134 = tpu.memref_slice %arg4[%add3A_87, %dma_start3A_133] : memref<5632x384xi32, #tpu.memory_space<hbm>> -> memref<16x384xi32, #tpu.memory_space<hbm>>
      %dma_start3A_135 = arith.constant 0 : i32
      %dma_start3A_136 = tpu.memref_slice %arg4[%add3A_87, %dma_start3A_135] : memref<5632x384xi32, #tpu.memory_space<hbm>> -> memref<16x384xi32, #tpu.memory_space<hbm>>
      tpu.enqueue_dma source(%arg7 : memref<16x384xi32, #tpu.memory_space<vmem>>) target(%dma_start3A_136 : memref<16x384xi32, #tpu.memory_space<hbm>>) target_semaphore(%run_scoped3A : memref<!tpu.dma_semaphore, #tpu.memory_space<semaphore_mem>>)
      %dma_wait3A_137 = arith.constant 0 : i32
      %dma_wait3A_138 = tpu.memref_slice %arg4[%add3A_87, %dma_wait3A_137] : memref<5632x384xi32, #tpu.memory_space<hbm>> -> memref<16x384xi32, #tpu.memory_space<hbm>>
      %dma_wait3A_139 = arith.constant 0 : i32
      %dma_wait3A_140 = tpu.memref_slice %arg4[%add3A_87, %dma_wait3A_139] : memref<5632x384xi32, #tpu.memory_space<hbm>> -> memref<16x384xi32, #tpu.memory_space<hbm>>
      tpu.wait_dma2 semaphore(%run_scoped3A : memref<!tpu.dma_semaphore, #tpu.memory_space<semaphore_mem>>) src(%arg7 : memref<16x384xi32, #tpu.memory_space<vmem>>) dst(%dma_wait3A_140 : memref<16x384xi32, #tpu.memory_space<hbm>>)
      tpu.yield
    }) : () -> ()
    %dma_start3A_88 = arith.constant 144 : i32
    %dma_start3A_89 = tpu.memref_slice %arg5[%dma_start3A_88] : memref<176xi32, #tpu.memory_space<vmem>> -> memref<16xi32, #tpu.memory_space<vmem>>
    %dma_start3A_90 = arith.constant 0 : i32
    %dma_start3A_91 = arith.constant 0 : i32
    %dma_start3A_92 = tpu.memref_slice %arg2[%dma_start3A_90, %dma_start3A_91] : memref<4608x384xi32, #tpu.memory_space<hbm>> -> memref<4608x384xi32, #tpu.memory_space<hbm>>
    tpu.enqueue_indirect_dma source(%dma_start3A_92 : memref<4608x384xi32, #tpu.memory_space<hbm>>) target(%arg7 : memref<16x384xi32, #tpu.memory_space<vmem>>) offsets(%dma_start3A_89 : memref<16xi32, #tpu.memory_space<vmem>>) semaphore(%arg11 : memref<!tpu.dma_semaphore, #tpu.memory_space<semaphore_mem>>)
    %dma_wait3A_93 = arith.constant 96 : i32
    %dma_wait3A_94 = tpu.memref_slice %arg5[%dma_wait3A_93] : memref<176xi32, #tpu.memory_space<vmem>> -> memref<16xi32, #tpu.memory_space<vmem>>
    %dma_wait3A_95 = arith.constant 0 : i32
    %dma_wait3A_96 = arith.constant 0 : i32
    %dma_wait3A_97 = tpu.memref_slice %arg2[%dma_wait3A_95, %dma_wait3A_96] : memref<4608x384xi32, #tpu.memory_space<hbm>> -> memref<4608x384xi32, #tpu.memory_space<hbm>>
    tpu.wait_indirect_dma semaphore(%arg12 : memref<!tpu.dma_semaphore, #tpu.memory_space<semaphore_mem>>) src(%dma_wait3A_97 : memref<4608x384xi32, #tpu.memory_space<hbm>>) dst(%arg8 : memref<16x384xi32, #tpu.memory_space<vmem>>)
    %add3A_98 = arith.constant 96 : i32
    %add3A_99 = arith.addi %mul3A_2, %add3A_98 : i32
    "tpu.region"() ({
      %run_scoped3A = tpu.sem_alloc : memref<!tpu.dma_semaphore, #tpu.memory_space<semaphore_mem>>
      %dma_start3A_133 = arith.constant 0 : i32
      %dma_start3A_134 = tpu.memref_slice %arg4[%add3A_99, %dma_start3A_133] : memref<5632x384xi32, #tpu.memory_space<hbm>> -> memref<16x384xi32, #tpu.memory_space<hbm>>
      %dma_start3A_135 = arith.constant 0 : i32
      %dma_start3A_136 = tpu.memref_slice %arg4[%add3A_99, %dma_start3A_135] : memref<5632x384xi32, #tpu.memory_space<hbm>> -> memref<16x384xi32, #tpu.memory_space<hbm>>
      tpu.enqueue_dma source(%arg8 : memref<16x384xi32, #tpu.memory_space<vmem>>) target(%dma_start3A_136 : memref<16x384xi32, #tpu.memory_space<hbm>>) target_semaphore(%run_scoped3A : memref<!tpu.dma_semaphore, #tpu.memory_space<semaphore_mem>>)
      %dma_wait3A_137 = arith.constant 0 : i32
      %dma_wait3A_138 = tpu.memref_slice %arg4[%add3A_99, %dma_wait3A_137] : memref<5632x384xi32, #tpu.memory_space<hbm>> -> memref<16x384xi32, #tpu.memory_space<hbm>>
      %dma_wait3A_139 = arith.constant 0 : i32
      %dma_wait3A_140 = tpu.memref_slice %arg4[%add3A_99, %dma_wait3A_139] : memref<5632x384xi32, #tpu.memory_space<hbm>> -> memref<16x384xi32, #tpu.memory_space<hbm>>
      tpu.wait_dma2 semaphore(%run_scoped3A : memref<!tpu.dma_semaphore, #tpu.memory_space<semaphore_mem>>) src(%arg8 : memref<16x384xi32, #tpu.memory_space<vmem>>) dst(%dma_wait3A_140 : memref<16x384xi32, #tpu.memory_space<hbm>>)
      tpu.yield
    }) : () -> ()
    %dma_start3A_100 = arith.constant 160 : i32
    %dma_start3A_101 = tpu.memref_slice %arg5[%dma_start3A_100] : memref<176xi32, #tpu.memory_space<vmem>> -> memref<16xi32, #tpu.memory_space<vmem>>
    %dma_start3A_102 = arith.constant 0 : i32
    %dma_start3A_103 = arith.constant 0 : i32
    %dma_start3A_104 = tpu.memref_slice %arg2[%dma_start3A_102, %dma_start3A_103] : memref<4608x384xi32, #tpu.memory_space<hbm>> -> memref<4608x384xi32, #tpu.memory_space<hbm>>
    tpu.enqueue_indirect_dma source(%dma_start3A_104 : memref<4608x384xi32, #tpu.memory_space<hbm>>) target(%arg8 : memref<16x384xi32, #tpu.memory_space<vmem>>) offsets(%dma_start3A_101 : memref<16xi32, #tpu.memory_space<vmem>>) semaphore(%arg12 : memref<!tpu.dma_semaphore, #tpu.memory_space<semaphore_mem>>)
    %dma_wait3A_105 = arith.constant 112 : i32
    %dma_wait3A_106 = tpu.memref_slice %arg5[%dma_wait3A_105] : memref<176xi32, #tpu.memory_space<vmem>> -> memref<16xi32, #tpu.memory_space<vmem>>
    %dma_wait3A_107 = arith.constant 0 : i32
    %dma_wait3A_108 = arith.constant 0 : i32
    %dma_wait3A_109 = tpu.memref_slice %arg2[%dma_wait3A_107, %dma_wait3A_108] : memref<4608x384xi32, #tpu.memory_space<hbm>> -> memref<4608x384xi32, #tpu.memory_space<hbm>>
    tpu.wait_indirect_dma semaphore(%arg13 : memref<!tpu.dma_semaphore, #tpu.memory_space<semaphore_mem>>) src(%dma_wait3A_109 : memref<4608x384xi32, #tpu.memory_space<hbm>>) dst(%arg9 : memref<16x384xi32, #tpu.memory_space<vmem>>)
    %add3A_110 = arith.constant 112 : i32
    %add3A_111 = arith.addi %mul3A_2, %add3A_110 : i32
    "tpu.region"() ({
      %run_scoped3A = tpu.sem_alloc : memref<!tpu.dma_semaphore, #tpu.memory_space<semaphore_mem>>
      %dma_start3A_133 = arith.constant 0 : i32
      %dma_start3A_134 = tpu.memref_slice %arg4[%add3A_111, %dma_start3A_133] : memref<5632x384xi32, #tpu.memory_space<hbm>> -> memref<16x384xi32, #tpu.memory_space<hbm>>
      %dma_start3A_135 = arith.constant 0 : i32
      %dma_start3A_136 = tpu.memref_slice %arg4[%add3A_111, %dma_start3A_135] : memref<5632x384xi32, #tpu.memory_space<hbm>> -> memref<16x384xi32, #tpu.memory_space<hbm>>
      tpu.enqueue_dma source(%arg9 : memref<16x384xi32, #tpu.memory_space<vmem>>) target(%dma_start3A_136 : memref<16x384xi32, #tpu.memory_space<hbm>>) target_semaphore(%run_scoped3A : memref<!tpu.dma_semaphore, #tpu.memory_space<semaphore_mem>>)
      %dma_wait3A_137 = arith.constant 0 : i32
      %dma_wait3A_138 = tpu.memref_slice %arg4[%add3A_111, %dma_wait3A_137] : memref<5632x384xi32, #tpu.memory_space<hbm>> -> memref<16x384xi32, #tpu.memory_space<hbm>>
      %dma_wait3A_139 = arith.constant 0 : i32
      %dma_wait3A_140 = tpu.memref_slice %arg4[%add3A_111, %dma_wait3A_139] : memref<5632x384xi32, #tpu.memory_space<hbm>> -> memref<16x384xi32, #tpu.memory_space<hbm>>
      tpu.wait_dma2 semaphore(%run_scoped3A : memref<!tpu.dma_semaphore, #tpu.memory_space<semaphore_mem>>) src(%arg9 : memref<16x384xi32, #tpu.memory_space<vmem>>) dst(%dma_wait3A_140 : memref<16x384xi32, #tpu.memory_space<hbm>>)
      tpu.yield
    }) : () -> ()
    %dma_wait3A_112 = arith.constant 128 : i32
    %dma_wait3A_113 = tpu.memref_slice %arg5[%dma_wait3A_112] : memref<176xi32, #tpu.memory_space<vmem>> -> memref<16xi32, #tpu.memory_space<vmem>>
    %dma_wait3A_114 = arith.constant 0 : i32
    %dma_wait3A_115 = arith.constant 0 : i32
    %dma_wait3A_116 = tpu.memref_slice %arg2[%dma_wait3A_114, %dma_wait3A_115] : memref<4608x384xi32, #tpu.memory_space<hbm>> -> memref<4608x384xi32, #tpu.memory_space<hbm>>
    tpu.wait_indirect_dma semaphore(%arg10 : memref<!tpu.dma_semaphore, #tpu.memory_space<semaphore_mem>>) src(%dma_wait3A_116 : memref<4608x384xi32, #tpu.memory_space<hbm>>) dst(%arg6 : memref<16x384xi32, #tpu.memory_space<vmem>>)
    %add3A_117 = arith.constant 128 : i32
    %add3A_118 = arith.addi %mul3A_2, %add3A_117 : i32
    "tpu.region"() ({
      %run_scoped3A = tpu.sem_alloc : memref<!tpu.dma_semaphore, #tpu.memory_space<semaphore_mem>>
      %dma_start3A_133 = arith.constant 0 : i32
      %dma_start3A_134 = tpu.memref_slice %arg4[%add3A_118, %dma_start3A_133] : memref<5632x384xi32, #tpu.memory_space<hbm>> -> memref<16x384xi32, #tpu.memory_space<hbm>>
      %dma_start3A_135 = arith.constant 0 : i32
      %dma_start3A_136 = tpu.memref_slice %arg4[%add3A_118, %dma_start3A_135] : memref<5632x384xi32, #tpu.memory_space<hbm>> -> memref<16x384xi32, #tpu.memory_space<hbm>>
      tpu.enqueue_dma source(%arg6 : memref<16x384xi32, #tpu.memory_space<vmem>>) target(%dma_start3A_136 : memref<16x384xi32, #tpu.memory_space<hbm>>) target_semaphore(%run_scoped3A : memref<!tpu.dma_semaphore, #tpu.memory_space<semaphore_mem>>)
      %dma_wait3A_137 = arith.constant 0 : i32
      %dma_wait3A_138 = tpu.memref_slice %arg4[%add3A_118, %dma_wait3A_137] : memref<5632x384xi32, #tpu.memory_space<hbm>> -> memref<16x384xi32, #tpu.memory_space<hbm>>
      %dma_wait3A_139 = arith.constant 0 : i32
      %dma_wait3A_140 = tpu.memref_slice %arg4[%add3A_118, %dma_wait3A_139] : memref<5632x384xi32, #tpu.memory_space<hbm>> -> memref<16x384xi32, #tpu.memory_space<hbm>>
      tpu.wait_dma2 semaphore(%run_scoped3A : memref<!tpu.dma_semaphore, #tpu.memory_space<semaphore_mem>>) src(%arg6 : memref<16x384xi32, #tpu.memory_space<vmem>>) dst(%dma_wait3A_140 : memref<16x384xi32, #tpu.memory_space<hbm>>)
      tpu.yield
    }) : () -> ()
    %dma_wait3A_119 = arith.constant 144 : i32
    %dma_wait3A_120 = tpu.memref_slice %arg5[%dma_wait3A_119] : memref<176xi32, #tpu.memory_space<vmem>> -> memref<16xi32, #tpu.memory_space<vmem>>
    %dma_wait3A_121 = arith.constant 0 : i32
    %dma_wait3A_122 = arith.constant 0 : i32
    %dma_wait3A_123 = tpu.memref_slice %arg2[%dma_wait3A_121, %dma_wait3A_122] : memref<4608x384xi32, #tpu.memory_space<hbm>> -> memref<4608x384xi32, #tpu.memory_space<hbm>>
    tpu.wait_indirect_dma semaphore(%arg11 : memref<!tpu.dma_semaphore, #tpu.memory_space<semaphore_mem>>) src(%dma_wait3A_123 : memref<4608x384xi32, #tpu.memory_space<hbm>>) dst(%arg7 : memref<16x384xi32, #tpu.memory_space<vmem>>)
    %add3A_124 = arith.constant 144 : i32
    %add3A_125 = arith.addi %mul3A_2, %add3A_124 : i32
    "tpu.region"() ({
      %run_scoped3A = tpu.sem_alloc : memref<!tpu.dma_semaphore, #tpu.memory_space<semaphore_mem>>
      %dma_start3A_133 = arith.constant 0 : i32
      %dma_start3A_134 = tpu.memref_slice %arg4[%add3A_125, %dma_start3A_133] : memref<5632x384xi32, #tpu.memory_space<hbm>> -> memref<16x384xi32, #tpu.memory_space<hbm>>
      %dma_start3A_135 = arith.constant 0 : i32
      %dma_start3A_136 = tpu.memref_slice %arg4[%add3A_125, %dma_start3A_135] : memref<5632x384xi32, #tpu.memory_space<hbm>> -> memref<16x384xi32, #tpu.memory_space<hbm>>
      tpu.enqueue_dma source(%arg7 : memref<16x384xi32, #tpu.memory_space<vmem>>) target(%dma_start3A_136 : memref<16x384xi32, #tpu.memory_space<hbm>>) target_semaphore(%run_scoped3A : memref<!tpu.dma_semaphore, #tpu.memory_space<semaphore_mem>>)
      %dma_wait3A_137 = arith.constant 0 : i32
      %dma_wait3A_138 = tpu.memref_slice %arg4[%add3A_125, %dma_wait3A_137] : memref<5632x384xi32, #tpu.memory_space<hbm>> -> memref<16x384xi32, #tpu.memory_space<hbm>>
      %dma_wait3A_139 = arith.constant 0 : i32
      %dma_wait3A_140 = tpu.memref_slice %arg4[%add3A_125, %dma_wait3A_139] : memref<5632x384xi32, #tpu.memory_space<hbm>> -> memref<16x384xi32, #tpu.memory_space<hbm>>
      tpu.wait_dma2 semaphore(%run_scoped3A : memref<!tpu.dma_semaphore, #tpu.memory_space<semaphore_mem>>) src(%arg7 : memref<16x384xi32, #tpu.memory_space<vmem>>) dst(%dma_wait3A_140 : memref<16x384xi32, #tpu.memory_space<hbm>>)
      tpu.yield
    }) : () -> ()
    %dma_wait3A_126 = arith.constant 160 : i32
    %dma_wait3A_127 = tpu.memref_slice %arg5[%dma_wait3A_126] : memref<176xi32, #tpu.memory_space<vmem>> -> memref<16xi32, #tpu.memory_space<vmem>>
    %dma_wait3A_128 = arith.constant 0 : i32
    %dma_wait3A_129 = arith.constant 0 : i32
    %dma_wait3A_130 = tpu.memref_slice %arg2[%dma_wait3A_128, %dma_wait3A_129] : memref<4608x384xi32, #tpu.memory_space<hbm>> -> memref<4608x384xi32, #tpu.memory_space<hbm>>
    tpu.wait_indirect_dma semaphore(%arg12 : memref<!tpu.dma_semaphore, #tpu.memory_space<semaphore_mem>>) src(%dma_wait3A_130 : memref<4608x384xi32, #tpu.memory_space<hbm>>) dst(%arg8 : memref<16x384xi32, #tpu.memory_space<vmem>>)
    %add3A_131 = arith.constant 160 : i32
    %add3A_132 = arith.addi %mul3A_2, %add3A_131 : i32
    "tpu.region"() ({
      %run_scoped3A = tpu.sem_alloc : memref<!tpu.dma_semaphore, #tpu.memory_space<semaphore_mem>>
      %dma_start3A_133 = arith.constant 0 : i32
      %dma_start3A_134 = tpu.memref_slice %arg4[%add3A_132, %dma_start3A_133] : memref<5632x384xi32, #tpu.memory_space<hbm>> -> memref<16x384xi32, #tpu.memory_space<hbm>>
      %dma_start3A_135 = arith.constant 0 : i32
      %dma_start3A_136 = tpu.memref_slice %arg4[%add3A_132, %dma_start3A_135] : memref<5632x384xi32, #tpu.memory_space<hbm>> -> memref<16x384xi32, #tpu.memory_space<hbm>>
      tpu.enqueue_dma source(%arg8 : memref<16x384xi32, #tpu.memory_space<vmem>>) target(%dma_start3A_136 : memref<16x384xi32, #tpu.memory_space<hbm>>) target_semaphore(%run_scoped3A : memref<!tpu.dma_semaphore, #tpu.memory_space<semaphore_mem>>)
      %dma_wait3A_137 = arith.constant 0 : i32
      %dma_wait3A_138 = tpu.memref_slice %arg4[%add3A_132, %dma_wait3A_137] : memref<5632x384xi32, #tpu.memory_space<hbm>> -> memref<16x384xi32, #tpu.memory_space<hbm>>
      %dma_wait3A_139 = arith.constant 0 : i32
      %dma_wait3A_140 = tpu.memref_slice %arg4[%add3A_132, %dma_wait3A_139] : memref<5632x384xi32, #tpu.memory_space<hbm>> -> memref<16x384xi32, #tpu.memory_space<hbm>>
      tpu.wait_dma2 semaphore(%run_scoped3A : memref<!tpu.dma_semaphore, #tpu.memory_space<semaphore_mem>>) src(%arg8 : memref<16x384xi32, #tpu.memory_space<vmem>>) dst(%dma_wait3A_140 : memref<16x384xi32, #tpu.memory_space<hbm>>)
      tpu.yield
    }) : () -> ()
    return
  }
}

module attributes {stable_mosaic.version = 14 : i64} {
  func.func @_embed_route_body(%arg0: i32, %arg1: memref<1x3x24x16x24x16xf32, #tpu.memory_space<vmem>>, %arg2: memref<768x768xf32, #tpu.memory_space<vmem>>, %arg3: memref<1x768xf32, #tpu.memory_space<vmem>>, %arg4: memref<1x1x768xf32, #tpu.memory_space<vmem>>, %arg5: memref<768x128xf32, #tpu.memory_space<vmem>>, %arg6: memref<1x128xf32, #tpu.memory_space<vmem>>, %arg7: memref<1x576x384xi32, #tpu.memory_space<vmem>>, %arg8: memref<1x1x576xf32, #tpu.memory_space<vmem>>, %arg9: memref<1x1x576xi32, #tpu.memory_space<vmem>>) attributes {dimension_semantics = [#tpu.dimension_semantics<arbitrary>], iteration_bounds = array<i64: 8>, scalar_prefetch = 0 : i64, scratch_operands = 0 : i64, tpu.core_type = #tpu.core_type<tc>, window_params = [{transform_indices = @transform_0, window_bounds = array<i64: 1, 3, 24, 16, 24, 16>}, {pipeline_mode = #tpu.pipeline_mode<synchronous>, transform_indices = @transform_1, window_bounds = array<i64: 768, 768>}, {pipeline_mode = #tpu.pipeline_mode<synchronous>, transform_indices = @transform_2, window_bounds = array<i64: 1, 768>}, {transform_indices = @transform_3, window_bounds = array<i64: 1, 1, 768>}, {pipeline_mode = #tpu.pipeline_mode<synchronous>, transform_indices = @transform_4, window_bounds = array<i64: 768, 128>}, {pipeline_mode = #tpu.pipeline_mode<synchronous>, transform_indices = @transform_5, window_bounds = array<i64: 1, 128>}, {transform_indices = @transform_6, window_bounds = array<i64: 1, 576, 384>}, {transform_indices = @transform_7, window_bounds = array<i64: 1, 1, 576>}, {transform_indices = @transform_8, window_bounds = array<i64: 1, 1, 576>}]} {
    %get3A = arith.constant 0 : index
    %get3A_0 = arith.constant 0 : index
    %get3A_1 = arith.constant 0 : index
    %get3A_2 = arith.constant 0 : index
    %get3A_3 = arith.constant 0 : index
    %get3A_4 = arith.constant 0 : index
    %get3A_5 = vector.load %arg1[%get3A, %get3A_0, %get3A_1, %get3A_2, %get3A_3, %get3A_4] : memref<1x3x24x16x24x16xf32, #tpu.memory_space<vmem>>, vector<1x3x24x16x24x16xf32>
    %get3A_6 = vector.shape_cast %get3A_5 : vector<1x3x24x16x24x16xf32> to vector<3x24x16x24x16xf32>
    %transpose3A = tpu.transpose %get3A_6, [1, 3, 0, 2, 4] : vector<3x24x16x24x16xf32> -> vector<24x24x3x16x16xf32>
    %reshape3A = vector.shape_cast %transpose3A : vector<24x24x3x16x16xf32> to vector<576x768xf32>
    %get3A_7 = arith.constant 0 : index
    %get3A_8 = arith.constant 0 : index
    %get3A_9 = vector.load %arg2[%get3A_7, %get3A_8] : memref<768x768xf32, #tpu.memory_space<vmem>>, vector<768x768xf32>
    %dot_general3A = arith.constant dense<0.000000e+00> : vector<576x768xf32>
    %dot_general3A_10 = tpu.matmul %reshape3A, %get3A_9, %dot_general3A {dimension_numbers = #tpu.dot_dimension_numbers<[1], [0], [0], [1], [0, 0, 1, 1], [], []>, transpose_lhs_hint = false} : vector<576x768xf32>, vector<768x768xf32>, vector<576x768xf32> -> vector<576x768xf32>
    %get3A_11 = arith.constant 0 : index
    %get3A_12 = arith.constant 0 : index
    %get3A_13 = vector.load %arg3[%get3A_11, %get3A_12] : memref<1x768xf32, #tpu.memory_space<vmem>>, vector<1x768xf32>
    %add3A = vector.broadcast %get3A_13 : vector<1x768xf32> to vector<576x768xf32>
    %add3A_14 = arith.addf %dot_general3A_10, %add3A : vector<576x768xf32>
    %get3A_15 = arith.constant 0 : index
    %get3A_16 = arith.constant 0 : index
    %get3A_17 = arith.constant 0 : index
    %get3A_18 = vector.load %arg4[%get3A_15, %get3A_16, %get3A_17] : memref<1x1x768xf32, #tpu.memory_space<vmem>>, vector<1x1x768xf32>
    %get3A_19 = vector.shape_cast %get3A_18 : vector<1x1x768xf32> to vector<1x768xf32>
    %add3A_20 = vector.broadcast %get3A_19 : vector<1x768xf32> to vector<576x768xf32>
    %add3A_21 = arith.addf %add3A_14, %add3A_20 : vector<576x768xf32>
    %bitcast_convert_type3A = tpu.bitcast %add3A_21 : vector<576x768xf32> -> vector<576x768xi32>
    %add3A_22 = arith.constant 32767 : i32
    %add3A_23 = vector.broadcast %add3A_22 : i32 to vector<576x768xi32>
    %add3A_24 = arith.addi %bitcast_convert_type3A, %add3A_23 : vector<576x768xi32>
    %shift_right_logical3A = arith.constant 16 : i32
    %shift_right_logical3A_25 = vector.broadcast %shift_right_logical3A : i32 to vector<576x768xi32>
    %shift_right_logical3A_26 = arith.shrui %bitcast_convert_type3A, %shift_right_logical3A_25 : vector<576x768xi32>
    %and3A = arith.constant 1 : i32
    %and3A_27 = vector.broadcast %and3A : i32 to vector<576x768xi32>
    %and3A_28 = arith.andi %shift_right_logical3A_26, %and3A_27 : vector<576x768xi32>
    %add3A_29 = arith.addi %add3A_24, %and3A_28 : vector<576x768xi32>
    %shift_right_logical3A_30 = arith.constant 16 : i32
    %shift_right_logical3A_31 = vector.broadcast %shift_right_logical3A_30 : i32 to vector<576x768xi32>
    %shift_right_logical3A_32 = arith.shrui %add3A_29, %shift_right_logical3A_31 : vector<576x768xi32>
    %slice3A = vector.extract_strided_slice %shift_right_logical3A_32 {offsets = [0, 0], sizes = [576, 384], strides = [1, 1]} : vector<576x768xi32> to vector<576x384xi32>
    %slice3A_33 = vector.extract_strided_slice %shift_right_logical3A_32 {offsets = [0, 384], sizes = [576, 384], strides = [1, 1]} : vector<576x768xi32> to vector<576x384xi32>
    %shift_left3A = arith.constant 16 : i32
    %shift_left3A_34 = vector.broadcast %shift_left3A : i32 to vector<576x384xi32>
    %shift_left3A_35 = arith.shli %slice3A_33, %shift_left3A_34 : vector<576x384xi32>
    %or3A = arith.ori %slice3A, %shift_left3A_35 : vector<576x384xi32>
    %swap3A = arith.constant 0 : index
    %swap3A_36 = arith.constant 0 : index
    %swap3A_37 = arith.constant 0 : index
    %swap3A_38 = vector.load %arg7[%swap3A, %swap3A_36, %swap3A_37] : memref<1x576x384xi32, #tpu.memory_space<vmem>>, vector<1x576x384xi32>
    %swap3A_39 = vector.shape_cast %swap3A_38 : vector<1x576x384xi32> to vector<576x384xi32>
    %swap3A_40 = vector.shape_cast %or3A : vector<576x384xi32> to vector<1x576x384xi32>
    tpu.vector_store %arg7[%swap3A, %swap3A_36, %swap3A_37], %swap3A_40 {strides = array<i32>} : memref<1x576x384xi32, #tpu.memory_space<vmem>>, vector<1x576x384xi32>,
    %get3A_41 = arith.constant 0 : index
    %get3A_42 = arith.constant 0 : index
    %get3A_43 = vector.load %arg5[%get3A_41, %get3A_42] : memref<768x128xf32, #tpu.memory_space<vmem>>, vector<768x128xf32>
    %dot_general3A_44 = arith.constant dense<0.000000e+00> : vector<576x128xf32>
    %dot_general3A_45 = tpu.matmul %add3A_21, %get3A_43, %dot_general3A_44 {dimension_numbers = #tpu.dot_dimension_numbers<[1], [0], [0], [1], [0, 0, 1, 1], [], []>, transpose_lhs_hint = false} : vector<576x768xf32>, vector<768x128xf32>, vector<576x128xf32> -> vector<576x128xf32>
    %get3A_46 = arith.constant 0 : index
    %get3A_47 = arith.constant 0 : index
    %get3A_48 = vector.load %arg6[%get3A_46, %get3A_47] : memref<1x128xf32, #tpu.memory_space<vmem>>, vector<1x128xf32>
    %add3A_49 = vector.broadcast %get3A_48 : vector<1x128xf32> to vector<576x128xf32>
    %add3A_50 = arith.addf %dot_general3A_45, %add3A_49 : vector<576x128xf32>
    %reduce_max3A = arith.constant dense<0xFF800000> : vector<576xf32>
    %reduce_max3A_51 = vector.multi_reduction <maximumf>, %add3A_50, %reduce_max3A [1] : vector<576x128xf32> to vector<576xf32>
    %broadcast_in_dim3A = vector.shape_cast %reduce_max3A_51 : vector<576xf32> to vector<576x1xf32>
    %sub3A = vector.broadcast %broadcast_in_dim3A : vector<576x1xf32> to vector<576x128xf32>
    %sub3A_52 = arith.subf %add3A_50, %sub3A : vector<576x128xf32>
    %exp3A = math.exp %sub3A_52 : vector<576x128xf32>
    %reduce_sum3A = arith.constant dense<0.000000e+00> : vector<576xf32>
    %reduce_sum3A_53 = vector.multi_reduction <add>, %exp3A, %reduce_sum3A [1] : vector<576x128xf32> to vector<576xf32>
    %div3A = arith.constant 1.000000e+00 : f32
    %div3A_54 = vector.broadcast %div3A : f32 to vector<576xf32>
    %div3A_55 = arith.divf %div3A_54, %reduce_sum3A_53 : vector<576xf32>
    %swap3A_56 = arith.constant 0 : index
    %swap3A_57 = arith.constant 0 : index
    %swap3A_58 = arith.constant 0 : index
    %swap3A_59 = vector.load %arg8[%swap3A_56, %swap3A_57, %swap3A_58] : memref<1x1x576xf32, #tpu.memory_space<vmem>>, vector<1x1x576xf32>
    %swap3A_60 = vector.shape_cast %swap3A_59 : vector<1x1x576xf32> to vector<576xf32>
    %swap3A_61 = vector.shape_cast %div3A_55 : vector<576xf32> to vector<1x1x576xf32>
    tpu.vector_store %arg8[%swap3A_56, %swap3A_57, %swap3A_58], %swap3A_61 {strides = array<i32>} : memref<1x1x576xf32, #tpu.memory_space<vmem>>, vector<1x1x576xf32>,
    %iota3A = tpu.iota {dimensions = array<i32: 1>} : vector<576x128xi32>
    %eq3A = vector.broadcast %broadcast_in_dim3A : vector<576x1xf32> to vector<576x128xf32>
    %eq3A_62 = arith.cmpf oeq, %add3A_50, %eq3A : vector<576x128xf32>
    %jit3A = arith.constant 4608 : i32
    %broadcast_in_dim3A_63 = vector.broadcast %jit3A : i32 to vector<576x128xi32>
    %select_n3A = arith.select %eq3A_62, %iota3A, %broadcast_in_dim3A_63 : vector<576x128xi1>, vector<576x128xi32>
    %reduce_min3A = arith.constant dense<2147483647> : vector<576xi32>
    %reduce_min3A_64 = vector.multi_reduction <minsi>, %select_n3A, %reduce_min3A [1] : vector<576x128xi32> to vector<576xi32>
    %swap3A_65 = arith.constant 0 : index
    %swap3A_66 = arith.constant 0 : index
    %swap3A_67 = arith.constant 0 : index
    %swap3A_68 = vector.load %arg9[%swap3A_65, %swap3A_66, %swap3A_67] : memref<1x1x576xi32, #tpu.memory_space<vmem>>, vector<1x1x576xi32>
    %swap3A_69 = vector.shape_cast %swap3A_68 : vector<1x1x576xi32> to vector<576xi32>
    %swap3A_70 = vector.shape_cast %reduce_min3A_64 : vector<576xi32> to vector<1x1x576xi32>
    tpu.vector_store %arg9[%swap3A_65, %swap3A_66, %swap3A_67], %swap3A_70 {strides = array<i32>} : memref<1x1x576xi32, #tpu.memory_space<vmem>>, vector<1x1x576xi32>,
    return
  }
  func.func @transform_0(%arg0: i32) -> (i32, i32, i32, i32, i32, i32) {
    %c0_i32 = arith.constant 0 : i32
    %c0_i32_0 = arith.constant 0 : i32
    %c0_i32_1 = arith.constant 0 : i32
    %c0_i32_2 = arith.constant 0 : i32
    %c0_i32_3 = arith.constant 0 : i32
    %c0_i32_4 = arith.constant 0 : i32
    return %arg0, %c0_i32, %c0_i32_0, %c0_i32_1, %c0_i32_2, %c0_i32_3 : i32, i32, i32, i32, i32, i32
  }
  func.func @transform_1(%arg0: i32) -> (i32, i32) {
    %c0_i32 = arith.constant 0 : i32
    %c0_i32_0 = arith.constant 0 : i32
    %c0_i32_1 = arith.constant 0 : i32
    return %c0_i32, %c0_i32_0 : i32, i32
  }
  func.func @transform_2(%arg0: i32) -> (i32, i32) {
    %c0_i32 = arith.constant 0 : i32
    %c0_i32_0 = arith.constant 0 : i32
    %c0_i32_1 = arith.constant 0 : i32
    return %c0_i32, %c0_i32_0 : i32, i32
  }
  func.func @transform_3(%arg0: i32) -> (i32, i32, i32) {
    %c0_i32 = arith.constant 0 : i32
    %c0_i32_0 = arith.constant 0 : i32
    %c0_i32_1 = arith.constant 0 : i32
    return %arg0, %c0_i32, %c0_i32_0 : i32, i32, i32
  }
  func.func @transform_4(%arg0: i32) -> (i32, i32) {
    %c0_i32 = arith.constant 0 : i32
    %c0_i32_0 = arith.constant 0 : i32
    %c0_i32_1 = arith.constant 0 : i32
    return %c0_i32, %c0_i32_0 : i32, i32
  }
  func.func @transform_5(%arg0: i32) -> (i32, i32) {
    %c0_i32 = arith.constant 0 : i32
    %c0_i32_0 = arith.constant 0 : i32
    %c0_i32_1 = arith.constant 0 : i32
    return %c0_i32, %c0_i32_0 : i32, i32
  }
  func.func @transform_6(%arg0: i32) -> (i32, i32, i32) {
    %c0_i32 = arith.constant 0 : i32
    %c0_i32_0 = arith.constant 0 : i32
    %c0_i32_1 = arith.constant 0 : i32
    return %arg0, %c0_i32, %c0_i32_0 : i32, i32, i32
  }
  func.func @transform_7(%arg0: i32) -> (i32, i32, i32) {
    %c0_i32 = arith.constant 0 : i32
    %c0_i32_0 = arith.constant 0 : i32
    %c0_i32_1 = arith.constant 0 : i32
    return %arg0, %c0_i32, %c0_i32_0 : i32, i32, i32
  }
  func.func @transform_8(%arg0: i32) -> (i32, i32, i32) {
    %c0_i32 = arith.constant 0 : i32
    %c0_i32_0 = arith.constant 0 : i32
    %c0_i32_1 = arith.constant 0 : i32
    return %arg0, %c0_i32, %c0_i32_0 : i32, i32, i32
  }
}

module attributes {stable_mosaic.version = 14 : i64} {
  func.func @_moe_body(%arg0: i32, %arg1: memref<44xi32, #tpu.memory_space<smem>>, %arg2: memref<1x128x384xi32, #tpu.memory_space<vmem>>, %arg3: memref<1x768x3072xf32, #tpu.memory_space<vmem>>, %arg4: memref<1x1x3072xf32, #tpu.memory_space<vmem>>, %arg5: memref<1x1x128xf32, #tpu.memory_space<vmem>>, %arg6: memref<1x1x128xi32, #tpu.memory_space<vmem>>, %arg7: memref<1x8x3072xf32, #tpu.memory_space<vmem>>) attributes {dimension_semantics = [#tpu.dimension_semantics<arbitrary>], iteration_bounds = array<i64: 44>, scalar_prefetch = 1 : i64, scratch_operands = 0 : i64, tpu.core_type = #tpu.core_type<tc>, window_params = [{transform_indices = @transform_0, window_bounds = array<i64: 1, 128, 384>}, {transform_indices = @transform_1, window_bounds = array<i64: 1, 768, 3072>}, {transform_indices = @transform_2, window_bounds = array<i64: 1, 1, 3072>}, {transform_indices = @transform_3, window_bounds = array<i64: 1, 1, 128>}, {transform_indices = @transform_4, window_bounds = array<i64: 1, 1, 128>}, {transform_indices = @transform_5, window_bounds = array<i64: 1, 8, 3072>}]} {
    %get3A = arith.constant 0 : index
    %get3A_0 = arith.constant 0 : index
    %get3A_1 = arith.constant 0 : index
    %get3A_2 = vector.load %arg2[%get3A, %get3A_0, %get3A_1] : memref<1x128x384xi32, #tpu.memory_space<vmem>>, vector<1x128x384xi32>
    %get3A_3 = vector.shape_cast %get3A_2 : vector<1x128x384xi32> to vector<128x384xi32>
    %shift_left3A = arith.constant 16 : i32
    %shift_left3A_4 = vector.broadcast %shift_left3A : i32 to vector<128x384xi32>
    %shift_left3A_5 = arith.shli %get3A_3, %shift_left3A_4 : vector<128x384xi32>
    %bitcast_convert_type3A = tpu.bitcast %shift_left3A_5 : vector<128x384xi32> -> vector<128x384xf32>
    %and3A = arith.constant -65536 : i32
    %and3A_6 = vector.broadcast %and3A : i32 to vector<128x384xi32>
    %and3A_7 = arith.andi %get3A_3, %and3A_6 : vector<128x384xi32>
    %bitcast_convert_type3A_8 = tpu.bitcast %and3A_7 : vector<128x384xi32> -> vector<128x384xf32>
    %concatenate3A = tpu.concatenate %bitcast_convert_type3A, %bitcast_convert_type3A_8 in 1 : vector<128x384xf32>, vector<128x384xf32> -> vector<128x768xf32>
    %convert_element_type3A = arith.truncf %concatenate3A : vector<128x768xf32> to vector<128x768xbf16>
    %get3A_9 = arith.constant 0 : index
    %get3A_10 = arith.constant 0 : index
    %get3A_11 = arith.constant 0 : index
    %get3A_12 = vector.load %arg3[%get3A_9, %get3A_10, %get3A_11] : memref<1x768x3072xf32, #tpu.memory_space<vmem>>, vector<1x768x3072xf32>
    %get3A_13 = vector.shape_cast %get3A_12 : vector<1x768x3072xf32> to vector<768x3072xf32>
    %convert_element_type3A_14 = arith.truncf %get3A_13 : vector<768x3072xf32> to vector<768x3072xbf16>
    %dot_general3A = arith.constant dense<0.000000e+00> : vector<128x3072xf32>
    %dot_general3A_15 = tpu.matmul %convert_element_type3A, %convert_element_type3A_14, %dot_general3A {dimension_numbers = #tpu.dot_dimension_numbers<[1], [0], [0], [1], [0, 0, 1, 1], [], []>, transpose_lhs_hint = false} : vector<128x768xbf16>, vector<768x3072xbf16>, vector<128x3072xf32> -> vector<128x3072xf32>
    %get3A_16 = arith.constant 0 : index
    %get3A_17 = arith.constant 0 : index
    %get3A_18 = arith.constant 0 : index
    %get3A_19 = vector.load %arg4[%get3A_16, %get3A_17, %get3A_18] : memref<1x1x3072xf32, #tpu.memory_space<vmem>>, vector<1x1x3072xf32>
    %get3A_20 = vector.shape_cast %get3A_19 : vector<1x1x3072xf32> to vector<1x3072xf32>
    %add3A = vector.broadcast %get3A_20 : vector<1x3072xf32> to vector<128x3072xf32>
    %add3A_21 = arith.addf %dot_general3A_15, %add3A : vector<128x3072xf32>
    %max3A = arith.constant 0.000000e+00 : f32
    %max3A_22 = vector.broadcast %max3A : f32 to vector<128x3072xf32>
    %max3A_23 = arith.maximumf %add3A_21, %max3A_22 : vector<128x3072xf32>
    %get3A_24 = arith.constant 0 : index
    %get3A_25 = arith.constant 0 : index
    %get3A_26 = arith.constant 0 : index
    %get3A_27 = vector.load %arg6[%get3A_24, %get3A_25, %get3A_26] : memref<1x1x128xi32, #tpu.memory_space<vmem>>, vector<1x1x128xi32>
    %get3A_28 = vector.shape_cast %get3A_27 : vector<1x1x128xi32> to vector<128xi32>
    %get3A_29 = arith.constant 0 : index
    %get3A_30 = arith.constant 0 : index
    %get3A_31 = arith.constant 0 : index
    %get3A_32 = vector.load %arg5[%get3A_29, %get3A_30, %get3A_31] : memref<1x1x128xf32, #tpu.memory_space<vmem>>, vector<1x1x128xf32>
    %get3A_33 = vector.shape_cast %get3A_32 : vector<1x1x128xf32> to vector<128xf32>
    %iota3A = tpu.iota {dimensions = array<i32: 0>} : vector<8x128xi32>
    %broadcast_in_dim3A = vector.shape_cast %get3A_28 : vector<128xi32> to vector<1x128xi32>
    %eq3A = vector.broadcast %broadcast_in_dim3A : vector<1x128xi32> to vector<8x128xi32>
    %eq3A_34 = arith.cmpi eq, %eq3A, %iota3A : vector<8x128xi32>
    %broadcast_in_dim3A_35 = vector.shape_cast %get3A_33 : vector<128xf32> to vector<1x128xf32>
    %jit3A = arith.constant 0.000000e+00 : f32
    %broadcast_in_dim3A_36 = vector.shape_cast %broadcast_in_dim3A_35 : vector<1x128xf32> to vector<1x128xf32>
    %broadcast_in_dim3A_37 = vector.broadcast %broadcast_in_dim3A_36 : vector<1x128xf32> to vector<8x128xf32>
    %broadcast_in_dim3A_38 = vector.broadcast %jit3A : f32 to vector<8x128xf32>
    %select_n3A = arith.select %eq3A_34, %broadcast_in_dim3A_37, %broadcast_in_dim3A_38 : vector<8x128xi1>, vector<8x128xf32>
    %dot_general3A_39 = arith.constant dense<0.000000e+00> : vector<8x3072xf32>
    %dot_general3A_40 = tpu.matmul %select_n3A, %max3A_23, %dot_general3A_39 {dimension_numbers = #tpu.dot_dimension_numbers<[1], [0], [0], [1], [0, 0, 1, 1], [], []>, transpose_lhs_hint = false} : vector<8x128xf32>, vector<128x3072xf32>, vector<8x3072xf32> -> vector<8x3072xf32>
    %eq3A_41 = arith.constant 0 : i32
    %eq3A_42 = arith.cmpi eq, %arg0, %eq3A_41 : i32
    %get3A_43 = arith.index_cast %arg0 : i32 to index
    %get3A_44 = memref.load %arg1[%get3A_43] : memref<44xi32, #tpu.memory_space<smem>>
    %sub3A = arith.constant 1 : i32
    %sub3A_45 = arith.subi %arg0, %sub3A : i32
    %max3A_46 = arith.constant 0 : i32
    %max3A_47 = arith.maxsi %sub3A_45, %max3A_46 : i32
    %get3A_48 = arith.index_cast %max3A_47 : i32 to index
    %get3A_49 = memref.load %arg1[%get3A_48] : memref<44xi32, #tpu.memory_space<smem>>
    %ne3A = arith.cmpi ne, %get3A_44, %get3A_49 : i32
    %or3A = arith.ori %eq3A_42, %ne3A : i1
    %convert_element_type3A_50 = arith.extui %or3A : i1 to i32
    %cond3A = arith.constant 0 : i32
    %cond3A_51 = arith.cmpi ne, %convert_element_type3A_50, %cond3A : i32
    scf.if %cond3A_51 {
      %swap3A = arith.constant 0 : index
      %swap3A_56 = arith.constant 0 : index
      %swap3A_57 = arith.constant 0 : index
      %swap3A_58 = vector.load %arg7[%swap3A, %swap3A_56, %swap3A_57] : memref<1x8x3072xf32, #tpu.memory_space<vmem>>, vector<1x8x3072xf32>
      %swap3A_59 = vector.shape_cast %swap3A_58 : vector<1x8x3072xf32> to vector<8x3072xf32>
      %swap3A_60 = vector.shape_cast %dot_general3A_40 : vector<8x3072xf32> to vector<1x8x3072xf32>
      tpu.vector_store %arg7[%swap3A, %swap3A_56, %swap3A_57], %swap3A_60 {strides = array<i32>} : memref<1x8x3072xf32, #tpu.memory_space<vmem>>, vector<1x8x3072xf32>,
    } else {
    }
    %not3A = arith.constant true
    %not3A_52 = arith.xori %or3A, %not3A : i1
    %convert_element_type3A_53 = arith.extui %not3A_52 : i1 to i32
    %cond3A_54 = arith.constant 0 : i32
    %cond3A_55 = arith.cmpi ne, %convert_element_type3A_53, %cond3A_54 : i32
    scf.if %cond3A_55 {
      %get3A_56 = arith.constant 0 : index
      %get3A_57 = arith.constant 0 : index
      %get3A_58 = arith.constant 0 : index
      %get3A_59 = vector.load %arg7[%get3A_56, %get3A_57, %get3A_58] : memref<1x8x3072xf32, #tpu.memory_space<vmem>>, vector<1x8x3072xf32>
      %get3A_60 = vector.shape_cast %get3A_59 : vector<1x8x3072xf32> to vector<8x3072xf32>
      %add3A_61 = arith.addf %get3A_60, %dot_general3A_40 : vector<8x3072xf32>
      %swap3A = arith.constant 0 : index
      %swap3A_62 = arith.constant 0 : index
      %swap3A_63 = arith.constant 0 : index
      %swap3A_64 = vector.load %arg7[%swap3A, %swap3A_62, %swap3A_63] : memref<1x8x3072xf32, #tpu.memory_space<vmem>>, vector<1x8x3072xf32>
      %swap3A_65 = vector.shape_cast %swap3A_64 : vector<1x8x3072xf32> to vector<8x3072xf32>
      %swap3A_66 = vector.shape_cast %add3A_61 : vector<8x3072xf32> to vector<1x8x3072xf32>
      tpu.vector_store %arg7[%swap3A, %swap3A_62, %swap3A_63], %swap3A_66 {strides = array<i32>} : memref<1x8x3072xf32, #tpu.memory_space<vmem>>, vector<1x8x3072xf32>,
    } else {
    }
    return
  }
  func.func @transform_0(%arg0: i32, %arg1: memref<44xi32, #tpu.memory_space<smem>>) -> (i32, i32, i32) {
    %c0_i32 = arith.constant 0 : i32
    %c0_i32_0 = arith.constant 0 : i32
    %c0_i32_1 = arith.constant 0 : i32
    return %arg0, %c0_i32, %c0_i32_0 : i32, i32, i32
  }
  func.func @transform_1(%arg0: i32, %arg1: memref<44xi32, #tpu.memory_space<smem>>) -> (i32, i32, i32) {
    %get3A = arith.index_cast %arg0 : i32 to index
    %get3A_0 = memref.load %arg1[%get3A] : memref<44xi32, #tpu.memory_space<smem>>
    %c0_i32 = arith.constant 0 : i32
    %c0_i32_1 = arith.constant 0 : i32
    %c0_i32_2 = arith.constant 0 : i32
    return %get3A_0, %c0_i32, %c0_i32_1 : i32, i32, i32
  }
  func.func @transform_2(%arg0: i32, %arg1: memref<44xi32, #tpu.memory_space<smem>>) -> (i32, i32, i32) {
    %get3A = arith.index_cast %arg0 : i32 to index
    %get3A_0 = memref.load %arg1[%get3A] : memref<44xi32, #tpu.memory_space<smem>>
    %c0_i32 = arith.constant 0 : i32
    %c0_i32_1 = arith.constant 0 : i32
    %c0_i32_2 = arith.constant 0 : i32
    return %get3A_0, %c0_i32, %c0_i32_1 : i32, i32, i32
  }
  func.func @transform_3(%arg0: i32, %arg1: memref<44xi32, #tpu.memory_space<smem>>) -> (i32, i32, i32) {
    %c0_i32 = arith.constant 0 : i32
    %c0_i32_0 = arith.constant 0 : i32
    %c0_i32_1 = arith.constant 0 : i32
    return %arg0, %c0_i32, %c0_i32_0 : i32, i32, i32
  }
  func.func @transform_4(%arg0: i32, %arg1: memref<44xi32, #tpu.memory_space<smem>>) -> (i32, i32, i32) {
    %c0_i32 = arith.constant 0 : i32
    %c0_i32_0 = arith.constant 0 : i32
    %c0_i32_1 = arith.constant 0 : i32
    return %arg0, %c0_i32, %c0_i32_0 : i32, i32, i32
  }
  func.func @transform_5(%arg0: i32, %arg1: memref<44xi32, #tpu.memory_space<smem>>) -> (i32, i32, i32) {
    %get3A = arith.index_cast %arg0 : i32 to index
    %get3A_0 = memref.load %arg1[%get3A] : memref<44xi32, #tpu.memory_space<smem>>
    %c0_i32 = arith.constant 0 : i32
    %c0_i32_1 = arith.constant 0 : i32
    %c0_i32_2 = arith.constant 0 : i32
    return %get3A_0, %c0_i32, %c0_i32_1 : i32, i32, i32
  }
}

module attributes {stable_mosaic.version = 14 : i64} {
  func.func @_final_body(%arg0: i32, %arg1: memref<1x8x3072xf32, #tpu.memory_space<vmem>>, %arg2: memref<1x3072x768xf32, #tpu.memory_space<vmem>>, %arg3: memref<8x768xf32, #tpu.memory_space<vmem>>, %arg4: memref<8x128xf32, #tpu.memory_space<vmem>>, %arg5: memref<768x1000xf32, #tpu.memory_space<vmem>>, %arg6: memref<1x1000xf32, #tpu.memory_space<vmem>>, %arg7: memref<8x1000xf32, #tpu.memory_space<vmem>>, %arg8: memref<8x768xf32, #tpu.memory_space<vmem>>) attributes {dimension_semantics = [#tpu.dimension_semantics<arbitrary>], iteration_bounds = array<i64: 8>, scalar_prefetch = 0 : i64, scratch_operands = 1 : i64, tpu.core_type = #tpu.core_type<tc>, window_params = [{transform_indices = @transform_0, window_bounds = array<i64: 1, 8, 3072>}, {transform_indices = @transform_1, window_bounds = array<i64: 1, 3072, 768>}, {pipeline_mode = #tpu.pipeline_mode<synchronous>, transform_indices = @transform_2, window_bounds = array<i64: 8, 768>}, {pipeline_mode = #tpu.pipeline_mode<synchronous>, transform_indices = @transform_3, window_bounds = array<i64: 8, 128>}, {pipeline_mode = #tpu.pipeline_mode<synchronous>, transform_indices = @transform_4, window_bounds = array<i64: 768, 1000>}, {pipeline_mode = #tpu.pipeline_mode<synchronous>, transform_indices = @transform_5, window_bounds = array<i64: 1, 1000>}, {pipeline_mode = #tpu.pipeline_mode<synchronous>, transform_indices = @transform_6, window_bounds = array<i64: 8, 1000>}]} {
    %eq3A = arith.constant 0 : i32
    %eq3A_0 = arith.cmpi eq, %arg0, %eq3A : i32
    %convert_element_type3A = arith.extui %eq3A_0 : i1 to i32
    %cond3A = arith.constant 0 : i32
    %cond3A_1 = arith.cmpi ne, %convert_element_type3A, %cond3A : i32
    scf.if %cond3A_1 {
      %broadcast_in_dim3A = arith.constant 0.000000e+00 : f32
      %broadcast_in_dim3A_22 = vector.broadcast %broadcast_in_dim3A : f32 to vector<8x768xf32>
      %swap3A_23 = arith.constant 0 : index
      %swap3A_24 = arith.constant 0 : index
      %swap3A_25 = vector.load %arg8[%swap3A_23, %swap3A_24] : memref<8x768xf32, #tpu.memory_space<vmem>>, vector<8x768xf32>
      tpu.vector_store %arg8[%swap3A_23, %swap3A_24], %broadcast_in_dim3A_22 {strides = array<i32>} : memref<8x768xf32, #tpu.memory_space<vmem>>, vector<8x768xf32>,
    } else {
    }
    %get3A = arith.constant 0 : index
    %get3A_2 = arith.constant 0 : index
    %get3A_3 = vector.load %arg8[%get3A, %get3A_2] : memref<8x768xf32, #tpu.memory_space<vmem>>, vector<8x768xf32>
    %get3A_4 = arith.constant 0 : index
    %get3A_5 = arith.constant 0 : index
    %get3A_6 = arith.constant 0 : index
    %get3A_7 = vector.load %arg1[%get3A_4, %get3A_5, %get3A_6] : memref<1x8x3072xf32, #tpu.memory_space<vmem>>, vector<1x8x3072xf32>
    %get3A_8 = vector.shape_cast %get3A_7 : vector<1x8x3072xf32> to vector<8x3072xf32>
    %get3A_9 = arith.constant 0 : index
    %get3A_10 = arith.constant 0 : index
    %get3A_11 = arith.constant 0 : index
    %get3A_12 = vector.load %arg2[%get3A_9, %get3A_10, %get3A_11] : memref<1x3072x768xf32, #tpu.memory_space<vmem>>, vector<1x3072x768xf32>
    %get3A_13 = vector.shape_cast %get3A_12 : vector<1x3072x768xf32> to vector<3072x768xf32>
    %dot_general3A = arith.constant dense<0.000000e+00> : vector<8x768xf32>
    %dot_general3A_14 = tpu.matmul %get3A_8, %get3A_13, %dot_general3A {dimension_numbers = #tpu.dot_dimension_numbers<[1], [0], [0], [1], [0, 0, 1, 1], [], []>, transpose_lhs_hint = false} : vector<8x3072xf32>, vector<3072x768xf32>, vector<8x768xf32> -> vector<8x768xf32>
    %add3A = arith.addf %get3A_3, %dot_general3A_14 : vector<8x768xf32>
    %swap3A = arith.constant 0 : index
    %swap3A_15 = arith.constant 0 : index
    %swap3A_16 = vector.load %arg8[%swap3A, %swap3A_15] : memref<8x768xf32, #tpu.memory_space<vmem>>, vector<8x768xf32>
    tpu.vector_store %arg8[%swap3A, %swap3A_15], %add3A {strides = array<i32>} : memref<8x768xf32, #tpu.memory_space<vmem>>, vector<8x768xf32>,
    %eq3A_17 = arith.constant 7 : i32
    %eq3A_18 = arith.cmpi eq, %arg0, %eq3A_17 : i32
    %convert_element_type3A_19 = arith.extui %eq3A_18 : i1 to i32
    %cond3A_20 = arith.constant 0 : i32
    %cond3A_21 = arith.cmpi ne, %convert_element_type3A_19, %cond3A_20 : i32
    scf.if %cond3A_21 {
      %get3A_22 = arith.constant 0 : index
      %get3A_23 = arith.constant 0 : index
      %get3A_24 = vector.load %arg8[%get3A_22, %get3A_23] : memref<8x768xf32, #tpu.memory_space<vmem>>, vector<8x768xf32>
      %get3A_25 = arith.constant 0 : index
      %get3A_26 = arith.constant 0 : index
      %get3A_27 = vector.load %arg4[%get3A_25, %get3A_26] : memref<8x128xf32, #tpu.memory_space<vmem>>, vector<8x128xf32>
      %slice3A = vector.extract_strided_slice %get3A_27 {offsets = [0, 0], sizes = [8, 8], strides = [1, 1]} : vector<8x128xf32> to vector<8x8xf32>
      %get3A_28 = arith.constant 0 : index
      %get3A_29 = arith.constant 0 : index
      %get3A_30 = vector.load %arg3[%get3A_28, %get3A_29] : memref<8x768xf32, #tpu.memory_space<vmem>>, vector<8x768xf32>
      %dot_general3A_31 = arith.constant dense<0.000000e+00> : vector<8x768xf32>
      %dot_general3A_32 = tpu.matmul %slice3A, %get3A_30, %dot_general3A_31 {dimension_numbers = #tpu.dot_dimension_numbers<[1], [0], [0], [1], [0, 0, 1, 1], [], []>, transpose_lhs_hint = false} : vector<8x8xf32>, vector<8x768xf32>, vector<8x768xf32> -> vector<8x768xf32>
      %add3A_33 = arith.addf %get3A_24, %dot_general3A_32 : vector<8x768xf32>
      %get3A_34 = arith.constant 0 : index
      %get3A_35 = arith.constant 0 : index
      %get3A_36 = vector.load %arg5[%get3A_34, %get3A_35] : memref<768x1000xf32, #tpu.memory_space<vmem>>, vector<768x1000xf32>
      %dot_general3A_37 = arith.constant dense<0.000000e+00> : vector<8x1000xf32>
      %dot_general3A_38 = tpu.matmul %add3A_33, %get3A_36, %dot_general3A_37 {dimension_numbers = #tpu.dot_dimension_numbers<[1], [0], [0], [1], [0, 0, 1, 1], [], []>, transpose_lhs_hint = false} : vector<8x768xf32>, vector<768x1000xf32>, vector<8x1000xf32> -> vector<8x1000xf32>
      %get3A_39 = arith.constant 0 : index
      %get3A_40 = arith.constant 0 : index
      %get3A_41 = vector.load %arg6[%get3A_39, %get3A_40] : memref<1x1000xf32, #tpu.memory_space<vmem>>, vector<1x1000xf32>
      %add3A_42 = vector.broadcast %get3A_41 : vector<1x1000xf32> to vector<8x1000xf32>
      %add3A_43 = arith.addf %dot_general3A_38, %add3A_42 : vector<8x1000xf32>
      %swap3A_44 = arith.constant 0 : index
      %swap3A_45 = arith.constant 0 : index
      %swap3A_46 = vector.load %arg7[%swap3A_44, %swap3A_45] : memref<8x1000xf32, #tpu.memory_space<vmem>>, vector<8x1000xf32>
      tpu.vector_store %arg7[%swap3A_44, %swap3A_45], %add3A_43 {strides = array<i32>} : memref<8x1000xf32, #tpu.memory_space<vmem>>, vector<8x1000xf32>,
    } else {
    }
    return
  }
  func.func @transform_0(%arg0: i32) -> (i32, i32, i32) {
    %c0_i32 = arith.constant 0 : i32
    %c0_i32_0 = arith.constant 0 : i32
    %c0_i32_1 = arith.constant 0 : i32
    return %arg0, %c0_i32, %c0_i32_0 : i32, i32, i32
  }
  func.func @transform_1(%arg0: i32) -> (i32, i32, i32) {
    %c0_i32 = arith.constant 0 : i32
    %c0_i32_0 = arith.constant 0 : i32
    %c0_i32_1 = arith.constant 0 : i32
    return %arg0, %c0_i32, %c0_i32_0 : i32, i32, i32
  }
  func.func @transform_2(%arg0: i32) -> (i32, i32) {
    %c0_i32 = arith.constant 0 : i32
    %c0_i32_0 = arith.constant 0 : i32
    %c0_i32_1 = arith.constant 0 : i32
    return %c0_i32, %c0_i32_0 : i32, i32
  }
  func.func @transform_3(%arg0: i32) -> (i32, i32) {
    %c0_i32 = arith.constant 0 : i32
    %c0_i32_0 = arith.constant 0 : i32
    %c0_i32_1 = arith.constant 0 : i32
    return %c0_i32, %c0_i32_0 : i32, i32
  }
  func.func @transform_4(%arg0: i32) -> (i32, i32) {
    %c0_i32 = arith.constant 0 : i32
    %c0_i32_0 = arith.constant 0 : i32
    %c0_i32_1 = arith.constant 0 : i32
    return %c0_i32, %c0_i32_0 : i32, i32
  }
  func.func @transform_5(%arg0: i32) -> (i32, i32) {
    %c0_i32 = arith.constant 0 : i32
    %c0_i32_0 = arith.constant 0 : i32
    %c0_i32_1 = arith.constant 0 : i32
    return %c0_i32, %c0_i32_0 : i32, i32
  }
  func.func @transform_6(%arg0: i32) -> (i32, i32) {
    %c0_i32 = arith.constant 0 : i32
    %c0_i32_0 = arith.constant 0 : i32
    %c0_i32_1 = arith.constant 0 : i32
    return %c0_i32, %c0_i32_0 : i32, i32
  }
}

</mosaic_0001>

<sc_bundles>
// kernel: kernel.6.cloned.1.call-start
scs
__scs_entry_jumppad:
0x0: {  	(pc) =	sbr.rel $0x88, $3  }
0x1: {  	(tag) =	ssettag $0x0;
	lr =	simm.s32 $0x1  }
0x2: {  	[smem:$0x3F95] =	sst lr;
	_ =	strace $0xD0000000  }
0x3: {  	_ = 	snop  }
0x4: {  	_ = 	snop  }
0x5: {  	_ = 	snop  }
0x6: {  	_ = 	snop  }
0x7: {  	_ = 	snop  }
__scs_overlays_trampoline_lowered:
0x8: {  	[smem:$0x3FA4] =	sst s0  }
0x9: {  	[smem:$0x3FA5] =	sst s1  }
0xa: {  	[smem:$0x3FA6] =	sst s2  }
0xb: {  	[smem:$0x3FA7] =	sst s3  }
0xc: {  	[smem:$0x3FA8] =	sst s4  }
0xd: {  	[smem:$0x3FA9] =	sst s5  }
0xe: {  	[smem:$0x3FAA] =	sst s6  }
0xf: {  	[smem:$0x3FAB] =	sst s7  }
0x10: {  	[smem:$0x3FAC] =	sst s8  }
0x11: {  	[smem:$0x3FAD] =	sst s9;
	s0 =	simm.s32 @!p0 $0x0  }
0x12: {  	s1 =	sld [smem:$0x3F93];
	s0 =	simm.s32 @p0 $0x1  }
0x13: {  	[smem:$0x3FAE] =	sst s0;
	s0 =	simm.s32 @!p1 $0x0  }
0x14: {  	s2 =	sld [smem:$0x3F92];
	s0 =	simm.s32 @p1 $0x1  }
0x15: {  	[smem:$0x3FAF] =	sst s0;
	s0 =	simm.s32 @!p2 $0x0  }
0x16: {  	s3 =	sld [smem:$0x3FDB];
	s0 =	simm.s32 @p2 $0x1  }
0x17: {  	s4 =	simm.s32 $0x1BF5;
	[smem:$0x3FB1] =	sst s0  }
0x18: {  	s0 =	sld [smem:$0x3F94];
	_ =	swait.ge [sflag:s4], $0x0  }
0x19: {  	s7 =	sld [smem:$0x3F95]  }
0x1a: {  	s8 =	sadd.s32 $0xFFFFE003, lr  }
0x1b: {  	s9 =	sadd.s32 $0xFFFFFEF7, lr;
	s5 =	simm.s32 $0xFFFFFFFF;
	p2 =	slt.u32 s8, $0xFFFFF086  }
0x1c: {  	p1 =	slt.u32 s9, $0xF7A;
	s5 =	simm.s32 @!p2 $0x0  }
0x1d: {  	s5 =	simm.s32 @p1 $0x1;
	p0 =	seq.s32 s7, s2  }
0x1e: {  	s7 =	smul.u32 @!p0 $0xF7A, s2;
	p2 =	seq.s32 @!p0 s5, $0x0  }
0x1f: {  	s9 =	smul.u32 $0xF7A, s1;
	s8 =	simm.s32 @!p0 $0x1BF5;
	p2 =	por !p2, p0  }
0x20: {  	[sflag:s8] =	ssyncset.s32 @!p0 $0xFFFFF086;
	s6 =	sadd.s32 @!p0 s3, s7;
	s7 =	simm.s32 @!p0 $0x108  }
0x21: {  	s3 =	sadd.s32 s3, s9;
	s6 =	sadd.s32 @!p0 $0x88, s6;
	s7 =	simm.s32 @p2 $0x1082  }
0x22: {  	[simem:s7], [sflag:s8] =	dma.local @!p0 [hbm:s6], $0xF7A  }
0x23: {  	s9 =	sor.u32 $0xD0000000, s2;
	s6 =	simm.s32 $0x108;
	_ =	swait.ge @!p0 [sflag:s8], $0x0  }
0x24: {  	s3 =	sadd.s32 $0x88, s3;
	s6 =	simm.s32 @!p1 $0x1082;
	[sflag:s4] =	ssyncset.s32 $0xFFFFF086  }
0x25: {  	[simem:s6], [sflag:s4] =	dma.local [hbm:s3], $0xF7A  }
0x26: {  	[smem:$0x3F95] =	sst s1;
	(tag) =	ssettag s2;
	_ =	strace s9  }
0x27: {  	s1 =	sld [smem:$0x3FA5]  }
0x28: {  	s2 =	sld [smem:$0x3FA6]  }
0x29: {  	s4 =	sld [smem:$0x3FA8]  }
0x2a: {  	p0 =	seq.s32 s5, $0x0;
	s5 =	sld [smem:$0x3FA9]  }
0x2b: {  	s6 =	sld [smem:$0x3FAA]  }
0x2c: {  	s7 =	sld [smem:$0x3FAB]  }
0x2d: {  	s3 =	simm.s32 $0x108;
	s8 =	sld [smem:$0x3FAC]  }
0x2e: {  	s3 =	simm.s32 @!p0 $0x1082;
	s9 =	sld [smem:$0x3FAD]  }
0x2f: {  	lr =	sadd.s32 s0, s3;
	s0 =	sld [smem:$0x3FA4]  }
0x30: {  	s3 =	sld [smem:$0x3FA7]  }
0x31: {  	[smem:$0x3FB0] =	sst s10  }
0x32: {  	s10 =	sld [smem:$0x3FAE];
	_ =	sdelay $0x3  }
0x33: {  	p0 =	seq.s32 s10, $0x1;
	s10 =	sld [smem:$0x3FB0];
	_ =	sdelay $0x3  }
0x34: {  	[smem:$0x3FB0] =	sst s10  }
0x35: {  	s10 =	sld [smem:$0x3FAF];
	_ =	sdelay $0x3  }
0x36: {  	p1 =	seq.s32 s10, $0x1;
	s10 =	sld [smem:$0x3FB0];
	_ =	sdelay $0x3  }
0x37: {  	[smem:$0x3FB0] =	sst s10  }
0x38: {  	s10 =	sld [smem:$0x3FB1]  }
0x39: {  	_ = 	snop;
	(pc) =	sbr.ind lr, $3  }
0x3a: {  	_ = 	snop  }
0x3b: {  	_ = 	snop  }
0x3c: {  	p2 =	seq.s32 s10, $0x1;
	s10 =	sld [smem:$0x3FB0]  }
0x3d: {  	_ =	shalt  }
0x3e: {  	_ =	shalt  }
0x3f: {  	_ =	shalt  }
0x40: {  	_ =	shalt  }
0x41: {  	_ =	shalt  }
0x42: {  	_ =	shalt  }
0x43: {  	_ =	shalt  }
0x44: {  	_ =	shalt  }
0x45: {  	_ =	shalt  }
0x46: {  	_ =	shalt  }
0x47: {  	_ =	shalt  }
0x48: {  	_ =	shalt  }
0x49: {  	_ =	shalt  }
0x4a: {  	_ =	shalt  }
0x4b: {  	_ =	shalt  }
0x4c: {  	_ =	shalt  }
0x4d: {  	_ =	shalt  }
0x4e: {  	_ =	shalt  }
0x4f: {  	_ =	shalt  }
0x50: {  	_ =	shalt  }
0x51: {  	_ =	shalt  }
0x52: {  	_ =	shalt  }
0x53: {  	_ =	shalt  }
0x54: {  	_ =	shalt  }
0x55: {  	_ =	shalt  }
0x56: {  	_ =	shalt  }
0x57: {  	_ =	shalt  }
0x58: {  	_ =	shalt  }
0x59: {  	_ =	shalt  }
0x5a: {  	_ =	shalt  }
0x5b: {  	_ =	shalt  }
0x5c: {  	_ =	shalt  }
0x5d: {  	_ =	shalt  }
0x5e: {  	_ =	shalt  }
0x5f: {  	_ =	shalt  }
0x60: {  	_ =	shalt  }
0x61: {  	_ =	shalt  }
0x62: {  	_ =	shalt  }
0x63: {  	_ =	shalt  }
0x64: {  	_ =	shalt  }
0x65: {  	_ =	shalt  }
0x66: {  	_ =	shalt  }
0x67: {  	_ =	shalt  }
0x68: {  	_ =	shalt  }
0x69: {  	_ =	shalt  }
0x6a: {  	_ =	shalt  }
0x6b: {  	_ =	shalt  }
0x6c: {  	_ =	shalt  }
0x6d: {  	_ =	shalt  }
0x6e: {  	_ =	shalt  }
0x6f: {  	_ =	shalt  }
0x70: {  	_ =	shalt  }
0x71: {  	_ =	shalt  }
0x72: {  	_ =	shalt  }
0x73: {  	_ =	shalt  }
0x74: {  	_ =	shalt  }
0x75: {  	_ =	shalt  }
0x76: {  	_ =	shalt  }
0x77: {  	_ =	shalt  }
0x78: {  	_ =	shalt  }
0x79: {  	_ =	shalt  }
0x7a: {  	_ =	shalt  }
0x7b: {  	_ =	shalt  }
0x7c: {  	_ =	shalt  }
0x7d: {  	_ =	shalt  }
0x7e: {  	_ =	shalt  }
0x7f: {  	_ =	shalt  }
0x80: {  	_ =	shalt  }
0x81: {  	_ =	shalt  }
0x82: {  	_ =	shalt  }
0x83: {  	_ =	shalt  }
0x84: {  	_ =	shalt  }
0x85: {  	_ =	shalt  }
0x86: {  	_ =	shalt  }
0x87: {  	_ =	shalt  }
.Lfunc_end0:
.L_simem_size_0:
called_computation.1_lowered:
.L_overlay_start_0:
0x88: {  	s2 =	sld [smem:$0x3FD9]  }
0x89: {  	s3 =	sld [smem:$0x3FFE];
	_ =	sdelay $0x1  }
0x8a: {  	s1 =	srdreg.scid  }
0x8b: {  	s0 =	sand.u32 $0x1, s1  }
0x8c: {  	s17 =	sshll.u32 s0, $0xA;
	s2 =	sadd.s32 s3, s2  }
0x8d: {  	s2 =	sadd.s32 s2, s17  }
0x8e: {  	[smem:$0x3FBC] =	sst s2  }
0x8f: {  	_ = 	snop  }
0x90: {  	s2 =	sld [smem:$0x3FD0];
	(tm) =	ssettm $0x1  }
0x91: {  	s18 =	sld [smem:$0x3FFB];
	_ =	sdelay $0x3  }
0x92: {  	_ =	strace s18  }
0x93: {  	s3 =	sld [smem:$0x3FFC];
	_ =	sdelay $0x3  }
0x94: {  	_ =	strace s3  }
0x95: {  	s3 =	sld [smem:$0x3FFD];
	_ =	sdelay $0x3  }
0x96: {  	_ =	strace s3  }
0x97: {  	_ =	strace $0x8FFFFFFF  }
0x98: {  	s19 =	sld [smem:$0x3FDB];
	_ =	sdelay $0x1  }
0x99: {  	s4 =	simm.s32 $_scs_section_size  }
0x9a: {  	s5 =	simm.s32 $_size__tile_overlayer_lowered;
	s6 =	simm.s32 $_tile_overlayer_lowered  }
0x9b: {  	s22 =	simm.s32 $0x1BFF;
	s21 =	sshll.u32 s6, $0x1;
	s3 =	sadd.s32 s4, s19  }
0x9c: {  	s7 =	simm.s32 $0x0;
	s20 =	sshll.u32 s5, $0x1;
	s5 =	sadd.s32 s21, s3  }
0x9d: {  	[timem:s7], [sflag:s22] =	dma.local [hbm:s5], s20  }
0x9e: {  	_ =	swait.ge [sflag:s22], s20  }
0x9f: {  	s4 =	ssub.s32 $0x0, s20;
	[sflag:s22] =	ssyncset.done $0x0  }
0xa0: {  	[sflag:s22] =	ssyncadd.s32 s4;
	_ =	sdelay $0x1  }
0xa1: {  	s23 =	simm.s32 $0x1B8B  }
0xa2: {  	_ =	swait.ge [sflag:s23], $0x1  }
0xa3: {  	[sflag:s23] =	ssyncset.done $0x0  }
0xa4: {  	s25 =	simm.s32 $0x1B8E;
	s24 =	sld [smem:$0x3FFE];
	[sflag:s23] =	ssyncadd.s32 $0xFFFFFFFF  }
0xa5: {  	s26 =	simm.s32 $execute0_lowered;
	[smem:$0x3FD2] =	sst s25  }
0xa6: {  	s5 =	sshll.u32 s26, $0x1;
	_ =	strace $0x80000046;
	[dreg:$0x1] =	wrdreg $0xFFFFFFFF  }
0xa7: {  	s28 =	simm.s32 $_size_execute0_lowered;
	s3 =	sadd.s32 s3, s5;
	[dreg:$0x0] =	wrdreg $0x0  }
0xa8: {  	s5 =	sshll.u32 s28, $0x1;
	[dreg:$0x2] =	wrdreg s3  }
0xa9: {  	[dreg:$0x3] =	wrdreg s5  }
0xaa: {  	[dreg:$0x4] =	wrdreg $0xC0  }
0xab: {  	_ =	task [dreg:s7], $0x5FFFF  }
0xac: {  	[dreg:$0x1] =	wrdreg $0xFFFFFFFF  }
0xad: {  	[dreg:$0x0] =	wrdreg $0x60  }
0xae: {  	[dreg:$0x2] =	wrdreg s24  }
0xaf: {  	[dreg:$0x3] =	wrdreg s2  }
0xb0: {  	[dreg:$0x4] =	wrdreg $0xA  }
0xb1: {  	_ =	task.clear_ibuf [dreg:s7], $0x5FFFF;
	_ =	strace $0x90000046  }
0xb2: {  	s29 =	simm.s32 $0xA;
	_ =	strace $0x80000048  }
0xb3: {  	_ =	swait.ge [sflag:s29], $0x1  }
0xb4: {  	[sflag:s29] =	ssyncadd.s32 $0xFFFFFFFF  }
0xb5: {  	_ =	strace $0x90000048  }
0xb6: {  	_ =	sfence  }
0xb7: {  	s30 =	sld [smem:$0x0];
	_ =	sdelay $0x2  }
0xb8: {  	s31 =	sshll.u32 s1, $0xD;
	s1 =	sshrl.u32 s1, $0x2  }
0xb9: {  	s3 =	sand.u32 $0x4000, s31;
	s1 =	sadd.s32 s1, s30  }
0xba: {  	s0 =	sor.u32 s3, s0;
	s1 =	sshll.u32 s1, $0x11  }
0xbb: {  	s0 =	sor.u32 s1, s0  }
0xbc: {  	s0 =	sadd.s32 $0x8F2B, s0  }
0xbd: {  	[sflag:s0] =	ssyncadd.remote.s32 $0x1  }
0xbe: {  	_ =	sfence.sel $0xFFFF  }
0xbf: {  	[dreg:$0x0] =	wrdreg $0xFFFFFFFF;
	(pc) =	sbr.abs _section_cstart, $3  }
0xc0: {  	[dreg:$0x1] =	wrdreg $0xFFFFFFFF  }
0xc1: {  	_ =	task.clear_ibuf [dreg:s7], $0x2FFFF;
	_ =	strace $0x9FFFFFFF  }
0xc2: {  	(tm) =	ssettm $0x7FFFFFFF  }
0xc3: {  	_ =	shalt  }
tec
execute0_lowered:
.L_overlay_start_1:
0x0: {  	(tag) =	ssettag $0x1  }
0x1: {  	s1 =	srdreg.scid;
	s0 =	stileid.u32  }
0x2: {  	s4 =	rddreg [dreg:$0x1];
	s11 =	simm.s32 $0x5;
	s12 =	simm.s32 $0x100  }
0x3: {  	s13 =	simm.s32 $0x900;
	s14 =	simm.s32 $0xD00;
	s15 =	simm.s32 $0x1500  }
0x4: {  	s16 =	simm.s32 $0x1900;
	s1 =	sand.u32 $0x1, s1;
	s2 =	sshll.u32 s0, $0x1  }
0x5: {  	s17 =	simm.s32 $0x2100;
	s18 =	simm.s32 $0x2500;
	s2 =	sor.u32 s1, s2  }
0x6: {  	s19 =	simm.s32 $0x2D00;
	s20 =	simm.s32 $0x3100;
	s3 =	smul.u32 $0xB0, s2  }
0x7: {  	s28 =	simm.s32 $0x5D00;
	s29 =	simm.s32 $0x1;
	s30 =	simm.s32 $0x2  }
0x8: {  	s31 =	simm.s32 $0x3;
	s1 =	ssub.s32 $0x2, s1;
	s5 =	sshrl.u32 s3, $0x3  }
0x9: {  	s2 =	rddreg [dreg:$0x0];
	s26 =	sshrl.u32 s1, $0x1;
	s6 =	smul.u32 $0x180, s5  }
0xa: {  	s1 =	ssub.s32 s1, s26;
	s26 =	simm.s32 $0x5500;
	s3 =	simm.s32 $0x0  }
0xb: {  	[smem:$0x7FF] =	sst s3;
	s4 =	sadd.s32 s4, s5;
	s9 =	sadd.s32 s6, s2  }
0xc: {  	_ =	strace $0x80000047;
	[dreg:$0x3] =	wrdreg s4;
	s21 =	sadd.s32 $0x36000, s9  }
0xd: {  	s10 =	smax.u32 s1, $0x1;
	s22 =	sadd.s32 $0x36300, s9;
	[dreg:$0x4] =	wrdreg s21  }
0xe: {  	s1 =	simm.s32 $0x4;
	s23 =	sadd.s32 $0x36600, s9;
	[dreg:$0x5] =	wrdreg s22  }
0xf: {  	s4 =	sadd.s32 $0x100, s2;
	s24 =	sadd.s32 $0x36900, s9;
	[dreg:$0x6] =	wrdreg s23  }
0x10: {  	s25 =	sadd.s32 $0x36C00, s9;
	s6 =	sadd.s32 $0x36F00, s9;
	[dreg:$0x7] =	wrdreg s24  }
0x11: {  	s5 =	sadd.s32 $0x37200, s9;
	s7 =	sadd.s32 $0x37800, s9;
	[dreg:$0x8] =	wrdreg s25  }
0x12: {  	v2 =	vlaneseq.u32;
	s8 =	sadd.s32 $0x37B00, s9;
	[dreg:$0x9] =	wrdreg s6;
	s6 =	sadd.s32 $0x37500, s9  }
0x13: {  	vm0 =	vmmov $0xffff;
	vm1 =	vmmov $0xff;
	v1 =	vshrl.u32 v2, $0x3;
	s9 =	sadd.s32 $0x37E00, s9;
	s21 =	simm.s32 $0x3900;
	s22 =	simm.s32 $0x3D00  }
0x14: {  	v0 =	vand.u32 $0x7, v2;
	v2 =	vor.u32 $0x8, v2;
	v1 =	vmul.u32 $0x8, v1;
	s23 =	simm.s32 $0x4500;
	s24 =	simm.s32 $0x4900;
	s25 =	simm.s32 $0x5100  }
.LBB2_1:
0x15: {  	s0 =	rddreg [dreg:$0x3]  }
0x16: {  	[tilespmem:s3], [sflag:$0x5] =	stream.linear.gather [hbm4b:s0+s3], $0xB0, $0x38;
	[tilespmem:$0x6100] =	vst v63  }
0x17: {  	_ =	swait.ge [sflag:s11], $0xB0  }
0x18: {  	[sflag:s11] =	ssyncset.done $0x0  }
0x19: {  	[sflag:s11] =	ssyncadd.s32 $0xFFFFFF50  }
0x1a: {  	v3 =	vld [tilespmem:$0x0];
	_ =	sdelay $0x4  }
0x1b: {  	v4 =	vshrl.u32 v3, $0x3  }
0x1c: {  	v4 =	vmul.u32 $0x18, v4  }
0x1d: {  	v3 =	vand.u32 $0x7, v3  }
0x1e: {  	v3 =	vor.u32 v3, v4  }
0x1f: {  	v4 =	vperm.xlane v3, v0;
	_ =	sdelay $0x1  }
0x20: {  	v4 =	vadd.s32 v1, v4;
	_ =	sdelay $0x1  }
0x21: {  	v3 =	vperm.xlane v3, v2;
	_ =	sdelay $0x1  }
0x22: {  	v3 =	vadd.s32 v1, v3  }
0x23: {  	[tilespmem:s12], [sflag:$0x1] =	stream.indirect_vreg.gather [hbm4b:s2+s3], $0x80, v4, vm0, $0xb8;
	[tilespmem:$0x6100] =	vst v63  }
0x24: {  	_ = 	snop  }
0x25: {  	[tilespmem:s13], [sflag:$0x1] =	stream.indirect_vreg.gather [hbm4b:s4+s3], $0x80, v4, vm1, $0xb8;
	[tilespmem:$0x6100] =	vst v63  }
0x26: {  	_ = 	snop  }
0x27: {  	[tilespmem:s14], [sflag:$0x1] =	stream.indirect_vreg.gather [hbm4b:s2+s3], $0x80, v3, vm0, $0xb8;
	[tilespmem:$0x6100] =	vst v63  }
0x28: {  	_ = 	snop  }
0x29: {  	[tilespmem:s15], [sflag:$0x1] =	stream.indirect_vreg.gather [hbm4b:s4+s3], $0x80, v3, vm1, $0xb8;
	[tilespmem:$0x6100] =	vst v63  }
0x2a: {  	v3 =	vld [tilespmem:$0x10];
	_ =	sdelay $0x4  }
0x2b: {  	v54 =	vshrl.u32 v3, $0x3  }
0x2c: {  	v4 =	vmul.u32 $0x18, v54  }
0x2d: {  	v3 =	vand.u32 $0x7, v3  }
0x2e: {  	v3 =	vor.u32 v3, v4  }
0x2f: {  	v4 =	vperm.xlane v3, v0;
	_ =	sdelay $0x1  }
0x30: {  	v4 =	vadd.s32 v1, v4;
	_ =	sdelay $0x1  }
0x31: {  	v3 =	vperm.xlane v3, v2;
	_ =	sdelay $0x1  }
0x32: {  	v3 =	vadd.s32 v1, v3  }
0x33: {  	[tilespmem:s16], [sflag:$0x2] =	stream.indirect_vreg.gather [hbm4b:s2+s3], $0x80, v4, vm0, $0xb8;
	[tilespmem:$0x6100] =	vst v63  }
0x34: {  	_ = 	snop  }
0x35: {  	[tilespmem:s17], [sflag:$0x2] =	stream.indirect_vreg.gather [hbm4b:s4+s3], $0x80, v4, vm1, $0xb8;
	[tilespmem:$0x6100] =	vst v63  }
0x36: {  	_ = 	snop  }
0x37: {  	[tilespmem:s18], [sflag:$0x2] =	stream.indirect_vreg.gather [hbm4b:s2+s3], $0x80, v3, vm0, $0xb8;
	[tilespmem:$0x6100] =	vst v63  }
0x38: {  	_ = 	snop  }
0x39: {  	[tilespmem:s19], [sflag:$0x2] =	stream.indirect_vreg.gather [hbm4b:s4+s3], $0x80, v3, vm1, $0xb8;
	[tilespmem:$0x6100] =	vst v63  }
0x3a: {  	v3 =	vld [tilespmem:$0x20];
	_ =	sdelay $0x4  }
0x3b: {  	v55 =	vshrl.u32 v3, $0x3  }
0x3c: {  	v4 =	vmul.u32 $0x18, v55  }
0x3d: {  	v3 =	vand.u32 $0x7, v3  }
0x3e: {  	v3 =	vor.u32 v3, v4  }
0x3f: {  	v4 =	vperm.xlane v3, v0;
	_ =	sdelay $0x1  }
0x40: {  	v4 =	vadd.s32 v1, v4;
	_ =	sdelay $0x1  }
0x41: {  	v3 =	vperm.xlane v3, v2;
	_ =	sdelay $0x1  }
0x42: {  	v3 =	vadd.s32 v1, v3  }
0x43: {  	[tilespmem:s20], [sflag:$0x3] =	stream.indirect_vreg.gather [hbm4b:s2+s3], $0x80, v4, vm0, $0xb8;
	[tilespmem:$0x6100] =	vst v63  }
0x44: {  	_ = 	snop  }
0x45: {  	[tilespmem:s21], [sflag:$0x3] =	stream.indirect_vreg.gather [hbm4b:s4+s3], $0x80, v4, vm1, $0xb8;
	[tilespmem:$0x6100] =	vst v63  }
0x46: {  	_ = 	snop  }
0x47: {  	[tilespmem:s22], [sflag:$0x3] =	stream.indirect_vreg.gather [hbm4b:s2+s3], $0x80, v3, vm0, $0xb8;
	[tilespmem:$0x6100] =	vst v63  }
0x48: {  	_ = 	snop  }
0x49: {  	[tilespmem:s23], [sflag:$0x3] =	stream.indirect_vreg.gather [hbm4b:s4+s3], $0x80, v3, vm1, $0xb8;
	[tilespmem:$0x6100] =	vst v63  }
0x4a: {  	v3 =	vld [tilespmem:$0x30];
	_ =	sdelay $0x4  }
0x4b: {  	v56 =	vshrl.u32 v3, $0x3  }
0x4c: {  	v4 =	vmul.u32 $0x18, v56  }
0x4d: {  	v3 =	vand.u32 $0x7, v3  }
0x4e: {  	v3 =	vor.u32 v3, v4  }
0x4f: {  	v4 =	vperm.xlane v3, v0;
	_ =	sdelay $0x1  }
0x50: {  	v4 =	vadd.s32 v1, v4;
	_ =	sdelay $0x1  }
0x51: {  	v3 =	vperm.xlane v3, v2;
	_ =	sdelay $0x1  }
0x52: {  	v3 =	vadd.s32 v1, v3  }
0x53: {  	[tilespmem:s24], [sflag:$0x4] =	stream.indirect_vreg.gather [hbm4b:s2+s3], $0x80, v4, vm0, $0xb8;
	[tilespmem:$0x6100] =	vst v63  }
0x54: {  	_ = 	snop  }
0x55: {  	[tilespmem:s25], [sflag:$0x4] =	stream.indirect_vreg.gather [hbm4b:s4+s3], $0x80, v4, vm1, $0xb8;
	[tilespmem:$0x6100] =	vst v63  }
0x56: {  	_ = 	snop  }
0x57: {  	[tilespmem:s26], [sflag:$0x4] =	stream.indirect_vreg.gather [hbm4b:s2+s3], $0x80, v3, vm0, $0xb8;
	[tilespmem:$0x6100] =	vst v63  }
0x58: {  	_ = 	snop  }
0x59: {  	[tilespmem:s28], [sflag:$0x4] =	stream.indirect_vreg.gather [hbm4b:s4+s3], $0x80, v3, vm1, $0xb8;
	[tilespmem:$0x6100] =	vst v63  }
0x5a: {  	_ =	swait.ge [sflag:s29], $0x1800  }
0x5b: {  	[sflag:s29] =	ssyncset.done $0x0  }
0x5c: {  	s0 =	rddreg [dreg:$0x4];
	[sflag:s29] =	ssyncadd.s32 $0xFFFFE800  }
0x5d: {  	[hbm4b:s0+s3] =	stream.linear.scatter [tilespmem:s12], [sflag:$0x5], $0x1800, $0x38;
	[tilespmem:$0x6100] =	vst v63  }
0x5e: {  	_ =	swait.ge [sflag:s11], $0x1800  }
0x5f: {  	[sflag:s11] =	ssyncset.done $0x0  }
0x60: {  	[sflag:s11] =	ssyncadd.s32 $0xFFFFE800  }
0x61: {  	v3 =	vld [tilespmem:$0x40];
	_ =	sdelay $0x4  }
0x62: {  	v57 =	vshrl.u32 v3, $0x3  }
0x63: {  	v4 =	vmul.u32 $0x18, v57  }
0x64: {  	v3 =	vand.u32 $0x7, v3  }
0x65: {  	v3 =	vor.u32 v3, v4  }
0x66: {  	v4 =	vperm.xlane v3, v0;
	_ =	sdelay $0x1  }
0x67: {  	v4 =	vadd.s32 v1, v4;
	_ =	sdelay $0x1  }
0x68: {  	v3 =	vperm.xlane v3, v2;
	_ =	sdelay $0x1  }
0x69: {  	v3 =	vadd.s32 v1, v3  }
0x6a: {  	[tilespmem:s12], [sflag:$0x1] =	stream.indirect_vreg.gather [hbm4b:s2+s3], $0x80, v4, vm0, $0xb8;
	[tilespmem:$0x6100] =	vst v63  }
0x6b: {  	_ = 	snop  }
0x6c: {  	[tilespmem:s13], [sflag:$0x1] =	stream.indirect_vreg.gather [hbm4b:s4+s3], $0x80, v4, vm1, $0xb8;
	[tilespmem:$0x6100] =	vst v63  }
0x6d: {  	_ = 	snop  }
0x6e: {  	[tilespmem:s14], [sflag:$0x1] =	stream.indirect_vreg.gather [hbm4b:s2+s3], $0x80, v3, vm0, $0xb8;
	[tilespmem:$0x6100] =	vst v63  }
0x6f: {  	_ = 	snop  }
0x70: {  	[tilespmem:s15], [sflag:$0x1] =	stream.indirect_vreg.gather [hbm4b:s4+s3], $0x80, v3, vm1, $0xb8;
	[tilespmem:$0x6100] =	vst v63  }
0x71: {  	_ =	swait.ge [sflag:s30], $0x1800  }
0x72: {  	[sflag:s30] =	ssyncset.done $0x0  }
0x73: {  	s0 =	rddreg [dreg:$0x5];
	[sflag:s30] =	ssyncadd.s32 $0xFFFFE800  }
0x74: {  	[hbm4b:s0+s3] =	stream.linear.scatter [tilespmem:s16], [sflag:$0x5], $0x1800, $0x38;
	[tilespmem:$0x6100] =	vst v63  }
0x75: {  	_ =	swait.ge [sflag:s11], $0x1800  }
0x76: {  	[sflag:s11] =	ssyncset.done $0x0  }
0x77: {  	[sflag:s11] =	ssyncadd.s32 $0xFFFFE800  }
0x78: {  	v3 =	vld [tilespmem:$0x50];
	_ =	sdelay $0x4  }
0x79: {  	v58 =	vshrl.u32 v3, $0x3  }
0x7a: {  	v4 =	vmul.u32 $0x18, v58  }
0x7b: {  	v3 =	vand.u32 $0x7, v3  }
0x7c: {  	v3 =	vor.u32 v3, v4  }
0x7d: {  	v4 =	vperm.xlane v3, v0;
	_ =	sdelay $0x1  }
0x7e: {  	v4 =	vadd.s32 v1, v4;
	_ =	sdelay $0x1  }
0x7f: {  	v3 =	vperm.xlane v3, v2;
	_ =	sdelay $0x1  }
0x80: {  	v3 =	vadd.s32 v1, v3  }
0x81: {  	[tilespmem:s16], [sflag:$0x2] =	stream.indirect_vreg.gather [hbm4b:s2+s3], $0x80, v4, vm0, $0xb8;
	[tilespmem:$0x6100] =	vst v63  }
0x82: {  	_ = 	snop  }
0x83: {  	[tilespmem:s17], [sflag:$0x2] =	stream.indirect_vreg.gather [hbm4b:s4+s3], $0x80, v4, vm1, $0xb8;
	[tilespmem:$0x6100] =	vst v63  }
0x84: {  	_ = 	snop  }
0x85: {  	[tilespmem:s18], [sflag:$0x2] =	stream.indirect_vreg.gather [hbm4b:s2+s3], $0x80, v3, vm0, $0xb8;
	[tilespmem:$0x6100] =	vst v63  }
0x86: {  	_ = 	snop  }
0x87: {  	[tilespmem:s19], [sflag:$0x2] =	stream.indirect_vreg.gather [hbm4b:s4+s3], $0x80, v3, vm1, $0xb8;
	[tilespmem:$0x6100] =	vst v63  }
0x88: {  	_ =	swait.ge [sflag:s31], $0x1800  }
0x89: {  	[sflag:s31] =	ssyncset.done $0x0  }
0x8a: {  	s0 =	rddreg [dreg:$0x6];
	[sflag:s31] =	ssyncadd.s32 $0xFFFFE800  }
0x8b: {  	[hbm4b:s0+s3] =	stream.linear.scatter [tilespmem:s20], [sflag:$0x5], $0x1800, $0x38;
	[tilespmem:$0x6100] =	vst v63  }
0x8c: {  	_ =	swait.ge [sflag:s11], $0x1800  }
0x8d: {  	[sflag:s11] =	ssyncset.done $0x0  }
0x8e: {  	[sflag:s11] =	ssyncadd.s32 $0xFFFFE800  }
0x8f: {  	v3 =	vld [tilespmem:$0x60];
	_ =	sdelay $0x4  }
0x90: {  	v59 =	vshrl.u32 v3, $0x3  }
0x91: {  	v4 =	vmul.u32 $0x18, v59  }
0x92: {  	v3 =	vand.u32 $0x7, v3  }
0x93: {  	v3 =	vor.u32 v3, v4  }
0x94: {  	v4 =	vperm.xlane v3, v0;
	_ =	sdelay $0x1  }
0x95: {  	v4 =	vadd.s32 v1, v4;
	_ =	sdelay $0x1  }
0x96: {  	v3 =	vperm.xlane v3, v2;
	_ =	sdelay $0x1  }
0x97: {  	v3 =	vadd.s32 v1, v3  }
0x98: {  	[tilespmem:s20], [sflag:$0x3] =	stream.indirect_vreg.gather [hbm4b:s2+s3], $0x80, v4, vm0, $0xb8;
	[tilespmem:$0x6100] =	vst v63  }
0x99: {  	_ = 	snop  }
0x9a: {  	[tilespmem:s21], [sflag:$0x3] =	stream.indirect_vreg.gather [hbm4b:s4+s3], $0x80, v4, vm1, $0xb8;
	[tilespmem:$0x6100] =	vst v63  }
0x9b: {  	_ = 	snop  }
0x9c: {  	[tilespmem:s22], [sflag:$0x3] =	stream.indirect_vreg.gather [hbm4b:s2+s3], $0x80, v3, vm0, $0xb8;
	[tilespmem:$0x6100] =	vst v63  }
0x9d: {  	_ = 	snop  }
0x9e: {  	[tilespmem:s23], [sflag:$0x3] =	stream.indirect_vreg.gather [hbm4b:s4+s3], $0x80, v3, vm1, $0xb8;
	[tilespmem:$0x6100] =	vst v63  }
0x9f: {  	_ =	swait.ge [sflag:s1], $0x1800  }
0xa0: {  	[sflag:s1] =	ssyncset.done $0x0  }
0xa1: {  	s0 =	rddreg [dreg:$0x7];
	[sflag:s1] =	ssyncadd.s32 $0xFFFFE800  }
0xa2: {  	[hbm4b:s0+s3] =	stream.linear.scatter [tilespmem:s24], [sflag:$0x5], $0x1800, $0x38;
	[tilespmem:$0x6100] =	vst v63  }
0xa3: {  	_ =	swait.ge [sflag:s11], $0x1800  }
0xa4: {  	[sflag:s11] =	ssyncset.done $0x0  }
0xa5: {  	[sflag:s11] =	ssyncadd.s32 $0xFFFFE800  }
0xa6: {  	v3 =	vld [tilespmem:$0x70];
	_ =	sdelay $0x4  }
0xa7: {  	v60 =	vshrl.u32 v3, $0x3  }
0xa8: {  	v4 =	vmul.u32 $0x18, v60  }
0xa9: {  	v3 =	vand.u32 $0x7, v3  }
0xaa: {  	v3 =	vor.u32 v3, v4  }
0xab: {  	v4 =	vperm.xlane v3, v0;
	_ =	sdelay $0x1  }
0xac: {  	v4 =	vadd.s32 v1, v4;
	_ =	sdelay $0x1  }
0xad: {  	v3 =	vperm.xlane v3, v2;
	_ =	sdelay $0x1  }
0xae: {  	v3 =	vadd.s32 v1, v3  }
0xaf: {  	[tilespmem:s24], [sflag:$0x4] =	stream.indirect_vreg.gather [hbm4b:s2+s3], $0x80, v4, vm0, $0xb8;
	[tilespmem:$0x6100] =	vst v63  }
0xb0: {  	_ = 	snop  }
0xb1: {  	[tilespmem:s25], [sflag:$0x4] =	stream.indirect_vreg.gather [hbm4b:s4+s3], $0x80, v4, vm1, $0xb8;
	[tilespmem:$0x6100] =	vst v63  }
0xb2: {  	_ = 	snop  }
0xb3: {  	[tilespmem:s26], [sflag:$0x4] =	stream.indirect_vreg.gather [hbm4b:s2+s3], $0x80, v3, vm0, $0xb8;
	[tilespmem:$0x6100] =	vst v63  }
0xb4: {  	_ = 	snop  }
0xb5: {  	[tilespmem:s28], [sflag:$0x4] =	stream.indirect_vreg.gather [hbm4b:s4+s3], $0x80, v3, vm1, $0xb8;
	[tilespmem:$0x6100] =	vst v63  }
0xb6: {  	_ =	swait.ge [sflag:s29], $0x1800  }
0xb7: {  	[sflag:s29] =	ssyncset.done $0x0  }
0xb8: {  	s0 =	rddreg [dreg:$0x8];
	[sflag:s29] =	ssyncadd.s32 $0xFFFFE800  }
0xb9: {  	[hbm4b:s0+s3] =	stream.linear.scatter [tilespmem:s12], [sflag:$0x5], $0x1800, $0x38;
	[tilespmem:$0x6100] =	vst v63  }
0xba: {  	_ =	swait.ge [sflag:s11], $0x1800  }
0xbb: {  	[sflag:s11] =	ssyncset.done $0x0  }
0xbc: {  	[sflag:s11] =	ssyncadd.s32 $0xFFFFE800  }
0xbd: {  	v3 =	vld [tilespmem:$0x80];
	_ =	sdelay $0x4  }
0xbe: {  	v61 =	vshrl.u32 v3, $0x3  }
0xbf: {  	v4 =	vmul.u32 $0x18, v61  }
0xc0: {  	v3 =	vand.u32 $0x7, v3  }
0xc1: {  	v3 =	vor.u32 v3, v4  }
0xc2: {  	v4 =	vperm.xlane v3, v0;
	_ =	sdelay $0x1  }
0xc3: {  	v4 =	vadd.s32 v1, v4;
	_ =	sdelay $0x1  }
0xc4: {  	v3 =	vperm.xlane v3, v2;
	_ =	sdelay $0x1  }
0xc5: {  	v3 =	vadd.s32 v1, v3  }
0xc6: {  	[tilespmem:s12], [sflag:$0x1] =	stream.indirect_vreg.gather [hbm4b:s2+s3], $0x80, v4, vm0, $0xb8;
	[tilespmem:$0x6100] =	vst v63  }
0xc7: {  	_ = 	snop  }
0xc8: {  	[tilespmem:s13], [sflag:$0x1] =	stream.indirect_vreg.gather [hbm4b:s4+s3], $0x80, v4, vm1, $0xb8;
	[tilespmem:$0x6100] =	vst v63  }
0xc9: {  	_ = 	snop  }
0xca: {  	[tilespmem:s14], [sflag:$0x1] =	stream.indirect_vreg.gather [hbm4b:s2+s3], $0x80, v3, vm0, $0xb8;
	[tilespmem:$0x6100] =	vst v63  }
0xcb: {  	_ = 	snop  }
0xcc: {  	[tilespmem:s15], [sflag:$0x1] =	stream.indirect_vreg.gather [hbm4b:s4+s3], $0x80, v3, vm1, $0xb8;
	[tilespmem:$0x6100] =	vst v63  }
0xcd: {  	_ =	swait.ge [sflag:s30], $0x1800  }
0xce: {  	[sflag:s30] =	ssyncset.done $0x0  }
0xcf: {  	s0 =	rddreg [dreg:$0x9];
	[sflag:s30] =	ssyncadd.s32 $0xFFFFE800  }
0xd0: {  	[hbm4b:s0+s3] =	stream.linear.scatter [tilespmem:s16], [sflag:$0x5], $0x1800, $0x38;
	[tilespmem:$0x6100] =	vst v63  }
0xd1: {  	_ =	swait.ge [sflag:s11], $0x1800  }
0xd2: {  	[sflag:s11] =	ssyncset.done $0x0  }
0xd3: {  	[sflag:s11] =	ssyncadd.s32 $0xFFFFE800  }
0xd4: {  	v3 =	vld [tilespmem:$0x90];
	_ =	sdelay $0x4  }
0xd5: {  	v62 =	vshrl.u32 v3, $0x3  }
0xd6: {  	v4 =	vmul.u32 $0x18, v62  }
0xd7: {  	v3 =	vand.u32 $0x7, v3  }
0xd8: {  	v3 =	vor.u32 v3, v4  }
0xd9: {  	v4 =	vperm.xlane v3, v0;
	_ =	sdelay $0x1  }
0xda: {  	v4 =	vadd.s32 v1, v4;
	_ =	sdelay $0x1  }
0xdb: {  	v3 =	vperm.xlane v3, v2;
	_ =	sdelay $0x1  }
0xdc: {  	v3 =	vadd.s32 v1, v3  }
0xdd: {  	[tilespmem:s16], [sflag:$0x2] =	stream.indirect_vreg.gather [hbm4b:s2+s3], $0x80, v4, vm0, $0xb8;
	[tilespmem:$0x6100] =	vst v63  }
0xde: {  	_ = 	snop  }
0xdf: {  	[tilespmem:s17], [sflag:$0x2] =	stream.indirect_vreg.gather [hbm4b:s4+s3], $0x80, v4, vm1, $0xb8;
	[tilespmem:$0x6100] =	vst v63  }
0xe0: {  	_ = 	snop  }
0xe1: {  	[tilespmem:s18], [sflag:$0x2] =	stream.indirect_vreg.gather [hbm4b:s2+s3], $0x80, v3, vm0, $0xb8;
	[tilespmem:$0x6100] =	vst v63  }
0xe2: {  	_ = 	snop  }
0xe3: {  	[tilespmem:s19], [sflag:$0x2] =	stream.indirect_vreg.gather [hbm4b:s4+s3], $0x80, v3, vm1, $0xb8;
	[tilespmem:$0x6100] =	vst v63  }
0xe4: {  	_ =	swait.ge [sflag:s31], $0x1800  }
0xe5: {  	[sflag:s31] =	ssyncset.done $0x0  }
0xe6: {  	[sflag:s31] =	ssyncadd.s32 $0xFFFFE800  }
0xe7: {  	[hbm4b:s5+s3] =	stream.linear.scatter [tilespmem:s20], [sflag:$0x5], $0x1800, $0x38;
	[tilespmem:$0x6100] =	vst v63  }
0xe8: {  	_ =	swait.ge [sflag:s11], $0x1800  }
0xe9: {  	[sflag:s11] =	ssyncset.done $0x0  }
0xea: {  	[sflag:s11] =	ssyncadd.s32 $0xFFFFE800  }
0xeb: {  	v3 =	vld [tilespmem:$0xA0];
	_ =	sdelay $0x4  }
0xec: {  	v63 =	vshrl.u32 v3, $0x3  }
0xed: {  	v4 =	vmul.u32 $0x18, v63  }
0xee: {  	v3 =	vand.u32 $0x7, v3  }
0xef: {  	v3 =	vor.u32 v3, v4  }
0xf0: {  	v4 =	vperm.xlane v3, v0;
	_ =	sdelay $0x1  }
0xf1: {  	v4 =	vadd.s32 v1, v4;
	_ =	sdelay $0x1  }
0xf2: {  	v3 =	vperm.xlane v3, v2;
	_ =	sdelay $0x1  }
0xf3: {  	v3 =	vadd.s32 v1, v3  }
0xf4: {  	[tilespmem:s20], [sflag:$0x3] =	stream.indirect_vreg.gather [hbm4b:s2+s3], $0x80, v4, vm0, $0xb8;
	[tilespmem:$0x6100] =	vst v63  }
0xf5: {  	_ = 	snop  }
0xf6: {  	[tilespmem:s21], [sflag:$0x3] =	stream.indirect_vreg.gather [hbm4b:s4+s3], $0x80, v4, vm1, $0xb8;
	[tilespmem:$0x6100] =	vst v63  }
0xf7: {  	_ = 	snop  }
0xf8: {  	[tilespmem:s22], [sflag:$0x3] =	stream.indirect_vreg.gather [hbm4b:s2+s3], $0x80, v3, vm0, $0xb8;
	[tilespmem:$0x6100] =	vst v63  }
0xf9: {  	_ = 	snop  }
0xfa: {  	[tilespmem:s23], [sflag:$0x3] =	stream.indirect_vreg.gather [hbm4b:s4+s3], $0x80, v3, vm1, $0xb8;
	[tilespmem:$0x6100] =	vst v63  }
0xfb: {  	_ =	swait.ge [sflag:s1], $0x1800  }
0xfc: {  	[sflag:s1] =	ssyncset.done $0x0  }
0xfd: {  	[sflag:s1] =	ssyncadd.s32 $0xFFFFE800  }
0xfe: {  	[hbm4b:s6+s3] =	stream.linear.scatter [tilespmem:s24], [sflag:$0x5], $0x1800, $0x38;
	[tilespmem:$0x6100] =	vst v63  }
0xff: {  	_ =	swait.ge [sflag:s11], $0x1800  }
0x100: {  	[sflag:s11] =	ssyncset.done $0x0  }
0x101: {  	[sflag:s11] =	ssyncadd.s32 $0xFFFFE800  }
0x102: {  	_ =	swait.ge [sflag:s29], $0x1800  }
0x103: {  	[sflag:s29] =	ssyncset.done $0x0  }
0x104: {  	[sflag:s29] =	ssyncadd.s32 $0xFFFFE800  }
0x105: {  	[hbm4b:s7+s3] =	stream.linear.scatter [tilespmem:s12], [sflag:$0x5], $0x1800, $0x38;
	[tilespmem:$0x6100] =	vst v63  }
0x106: {  	_ =	swait.ge [sflag:s11], $0x1800  }
0x107: {  	[sflag:s11] =	ssyncset.done $0x0  }
0x108: {  	[sflag:s11] =	ssyncadd.s32 $0xFFFFE800  }
0x109: {  	_ =	swait.ge [sflag:s30], $0x1800  }
0x10a: {  	[sflag:s30] =	ssyncset.done $0x0  }
0x10b: {  	[sflag:s30] =	ssyncadd.s32 $0xFFFFE800  }
0x10c: {  	[hbm4b:s8+s3] =	stream.linear.scatter [tilespmem:s16], [sflag:$0x5], $0x1800, $0x38;
	[tilespmem:$0x6100] =	vst v63  }
0x10d: {  	_ =	swait.ge [sflag:s11], $0x1800  }
0x10e: {  	[sflag:s11] =	ssyncset.done $0x0  }
0x10f: {  	[sflag:s11] =	ssyncadd.s32 $0xFFFFE800  }
0x110: {  	_ =	swait.ge [sflag:s31], $0x1800  }
0x111: {  	p0 =	sne.s32 s10, $0x1;
	[sflag:s31] =	ssyncset.done $0x0  }
.Ltmp0:
0x112: {  	[sflag:s31] =	ssyncadd.s32 $0xFFFFE800;
	(pc) =	sbr.rel @p0 .LBB2_1-.Ltmp0, $4  }
0x113: {  	[hbm4b:s9+s3] =	stream.linear.scatter [tilespmem:s20], [sflag:$0x5], $0x1800, $0x38;
	[tilespmem:$0x6100] =	vst v63  }
0x114: {  	_ =	swait.ge [sflag:s11], $0x1800  }
0x115: {  	[sflag:s11] =	ssyncset.done $0x0  }
0x116: {  	s10 =	sadd.s32 $0xFFFFFFFF, s10;
	[sflag:s11] =	ssyncadd.s32 $0xFFFFE800  }
0x117: {  	_ =	sfence.sel $0x180000  }
0x118: {  	[bflag:$0x0] =	sbarrier.arrive $0xFFFF  }
0x119: {  	_ =	strace $0x90000047  }
0x11a: {  	s0 =	stileid.u32;
	[bflag:$0x2] =	sbarrier.arrive $0xFFFF  }
0x11b: {  	p0 =	sne.s32 s0, $0x0;
	s0 =	rddreg [dreg:$0x2]  }
0x11c: {  	s0 =	sadd.s32 @!p0 $0x100000, s0  }
0x11d: {  	[sflag:s0] =	ssyncadd.tile.s32 @!p0 $0x1;
	_ =	shalt  }
.Lfunc_end2:
_tile_overlayer_lowered:
.L_overlay_start_2:
0x11e: {  	(tag) =	ssettag $0x2  }
0x11f: {  	s0 =	rddreg [dreg:$0x0];
	s2 =	stileid.u32  }
0x120: {  	s1 =	rddreg [dreg:$0x1];
	p0 =	sne.s32 s2, $0x0  }
0x121: {  	s3 =	rddreg [dreg:$0x2];
	[bflag:$0x3] =	sbarrier.arrive $0xFFFF;
	s2 =	simm.s32 @!p0 $0x1C05  }
0x122: {  	[timem:s3], [sflag:s2] =	dma.local @!p0 [hbm:s0], s1  }
0x123: {  	s0 =	simm.s32 @!p0 $0x5  }
0x124: {  	_ =	swait.ge @!p0 [sflag:s0], s1  }
0x125: {  	s1 =	ssub.s32 @!p0 $0x0, s1;
	[sflag:s0] =	ssyncset.done @!p0 $0x0  }
0x126: {  	[sflag:s0] =	ssyncadd.s32 @!p0 s1  }
0x127: {  	[bflag:$0x3] =	sbarrier.arrive $0xFFFF  }
0x128: {  	_ =	shalt  }

// kernel: scatter_offload_async_start
scs
__scs_entry_jumppad:
0x0: {  	(pc) =	sbr.rel $0x88, $3  }
0x1: {  	(tag) =	ssettag $0x0;
	lr =	simm.s32 $0x1  }
0x2: {  	[smem:$0x3F95] =	sst lr;
	_ =	strace $0xD0000000  }
0x3: {  	_ = 	snop  }
0x4: {  	_ = 	snop  }
0x5: {  	_ = 	snop  }
0x6: {  	_ = 	snop  }
0x7: {  	_ = 	snop  }
__scs_overlays_trampoline_lowered:
0x8: {  	[smem:$0x3FA4] =	sst s0  }
0x9: {  	[smem:$0x3FA5] =	sst s1  }
0xa: {  	[smem:$0x3FA6] =	sst s2  }
0xb: {  	[smem:$0x3FA7] =	sst s3  }
0xc: {  	[smem:$0x3FA8] =	sst s4  }
0xd: {  	[smem:$0x3FA9] =	sst s5  }
0xe: {  	[smem:$0x3FAA] =	sst s6  }
0xf: {  	[smem:$0x3FAB] =	sst s7  }
0x10: {  	[smem:$0x3FAC] =	sst s8  }
0x11: {  	[smem:$0x3FAD] =	sst s9;
	s0 =	simm.s32 @!p0 $0x0  }
0x12: {  	s1 =	sld [smem:$0x3F93];
	s0 =	simm.s32 @p0 $0x1  }
0x13: {  	[smem:$0x3FAE] =	sst s0;
	s0 =	simm.s32 @!p1 $0x0  }
0x14: {  	s2 =	sld [smem:$0x3F92];
	s0 =	simm.s32 @p1 $0x1  }
0x15: {  	[smem:$0x3FAF] =	sst s0;
	s0 =	simm.s32 @!p2 $0x0  }
0x16: {  	s3 =	sld [smem:$0x3FDB];
	s0 =	simm.s32 @p2 $0x1  }
0x17: {  	s4 =	simm.s32 $0x1BF5;
	[smem:$0x3FB1] =	sst s0  }
0x18: {  	s0 =	sld [smem:$0x3F94];
	_ =	swait.ge [sflag:s4], $0x0  }
0x19: {  	s7 =	sld [smem:$0x3F95]  }
0x1a: {  	s8 =	sadd.s32 $0xFFFFE003, lr  }
0x1b: {  	s9 =	sadd.s32 $0xFFFFFEF7, lr;
	s5 =	simm.s32 $0xFFFFFFFF;
	p2 =	slt.u32 s8, $0xFFFFF086  }
0x1c: {  	p1 =	slt.u32 s9, $0xF7A;
	s5 =	simm.s32 @!p2 $0x0  }
0x1d: {  	s5 =	simm.s32 @p1 $0x1;
	p0 =	seq.s32 s7, s2  }
0x1e: {  	s7 =	smul.u32 @!p0 $0xF7A, s2;
	p2 =	seq.s32 @!p0 s5, $0x0  }
0x1f: {  	s9 =	smul.u32 $0xF7A, s1;
	s8 =	simm.s32 @!p0 $0x1BF5;
	p2 =	por !p2, p0  }
0x20: {  	[sflag:s8] =	ssyncset.s32 @!p0 $0xFFFFF086;
	s6 =	sadd.s32 @!p0 s3, s7;
	s7 =	simm.s32 @!p0 $0x108  }
0x21: {  	s3 =	sadd.s32 s3, s9;
	s6 =	sadd.s32 @!p0 $0x88, s6;
	s7 =	simm.s32 @p2 $0x1082  }
0x22: {  	[simem:s7], [sflag:s8] =	dma.local @!p0 [hbm:s6], $0xF7A  }
0x23: {  	s9 =	sor.u32 $0xD0000000, s2;
	s6 =	simm.s32 $0x108;
	_ =	swait.ge @!p0 [sflag:s8], $0x0  }
0x24: {  	s3 =	sadd.s32 $0x88, s3;
	s6 =	simm.s32 @!p1 $0x1082;
	[sflag:s4] =	ssyncset.s32 $0xFFFFF086  }
0x25: {  	[simem:s6], [sflag:s4] =	dma.local [hbm:s3], $0xF7A  }
0x26: {  	[smem:$0x3F95] =	sst s1;
	(tag) =	ssettag s2;
	_ =	strace s9  }
0x27: {  	s1 =	sld [smem:$0x3FA5]  }
0x28: {  	s2 =	sld [smem:$0x3FA6]  }
0x29: {  	s4 =	sld [smem:$0x3FA8]  }
0x2a: {  	p0 =	seq.s32 s5, $0x0;
	s5 =	sld [smem:$0x3FA9]  }
0x2b: {  	s6 =	sld [smem:$0x3FAA]  }
0x2c: {  	s7 =	sld [smem:$0x3FAB]  }
0x2d: {  	s3 =	simm.s32 $0x108;
	s8 =	sld [smem:$0x3FAC]  }
0x2e: {  	s3 =	simm.s32 @!p0 $0x1082;
	s9 =	sld [smem:$0x3FAD]  }
0x2f: {  	lr =	sadd.s32 s0, s3;
	s0 =	sld [smem:$0x3FA4]  }
0x30: {  	s3 =	sld [smem:$0x3FA7]  }
0x31: {  	[smem:$0x3FB0] =	sst s10  }
0x32: {  	s10 =	sld [smem:$0x3FAE];
	_ =	sdelay $0x3  }
0x33: {  	p0 =	seq.s32 s10, $0x1;
	s10 =	sld [smem:$0x3FB0];
	_ =	sdelay $0x3  }
0x34: {  	[smem:$0x3FB0] =	sst s10  }
0x35: {  	s10 =	sld [smem:$0x3FAF];
	_ =	sdelay $0x3  }
0x36: {  	p1 =	seq.s32 s10, $0x1;
	s10 =	sld [smem:$0x3FB0];
	_ =	sdelay $0x3  }
0x37: {  	[smem:$0x3FB0] =	sst s10  }
0x38: {  	s10 =	sld [smem:$0x3FB1]  }
0x39: {  	_ = 	snop;
	(pc) =	sbr.ind lr, $3  }
0x3a: {  	_ = 	snop  }
0x3b: {  	_ = 	snop  }
0x3c: {  	p2 =	seq.s32 s10, $0x1;
	s10 =	sld [smem:$0x3FB0]  }
0x3d: {  	_ =	shalt  }
0x3e: {  	_ =	shalt  }
0x3f: {  	_ =	shalt  }
0x40: {  	_ =	shalt  }
0x41: {  	_ =	shalt  }
0x42: {  	_ =	shalt  }
0x43: {  	_ =	shalt  }
0x44: {  	_ =	shalt  }
0x45: {  	_ =	shalt  }
0x46: {  	_ =	shalt  }
0x47: {  	_ =	shalt  }
0x48: {  	_ =	shalt  }
0x49: {  	_ =	shalt  }
0x4a: {  	_ =	shalt  }
0x4b: {  	_ =	shalt  }
0x4c: {  	_ =	shalt  }
0x4d: {  	_ =	shalt  }
0x4e: {  	_ =	shalt  }
0x4f: {  	_ =	shalt  }
0x50: {  	_ =	shalt  }
0x51: {  	_ =	shalt  }
0x52: {  	_ =	shalt  }
0x53: {  	_ =	shalt  }
0x54: {  	_ =	shalt  }
0x55: {  	_ =	shalt  }
0x56: {  	_ =	shalt  }
0x57: {  	_ =	shalt  }
0x58: {  	_ =	shalt  }
0x59: {  	_ =	shalt  }
0x5a: {  	_ =	shalt  }
0x5b: {  	_ =	shalt  }
0x5c: {  	_ =	shalt  }
0x5d: {  	_ =	shalt  }
0x5e: {  	_ =	shalt  }
0x5f: {  	_ =	shalt  }
0x60: {  	_ =	shalt  }
0x61: {  	_ =	shalt  }
0x62: {  	_ =	shalt  }
0x63: {  	_ =	shalt  }
0x64: {  	_ =	shalt  }
0x65: {  	_ =	shalt  }
0x66: {  	_ =	shalt  }
0x67: {  	_ =	shalt  }
0x68: {  	_ =	shalt  }
0x69: {  	_ =	shalt  }
0x6a: {  	_ =	shalt  }
0x6b: {  	_ =	shalt  }
0x6c: {  	_ =	shalt  }
0x6d: {  	_ =	shalt  }
0x6e: {  	_ =	shalt  }
0x6f: {  	_ =	shalt  }
0x70: {  	_ =	shalt  }
0x71: {  	_ =	shalt  }
0x72: {  	_ =	shalt  }
0x73: {  	_ =	shalt  }
0x74: {  	_ =	shalt  }
0x75: {  	_ =	shalt  }
0x76: {  	_ =	shalt  }
0x77: {  	_ =	shalt  }
0x78: {  	_ =	shalt  }
0x79: {  	_ =	shalt  }
0x7a: {  	_ =	shalt  }
0x7b: {  	_ =	shalt  }
0x7c: {  	_ =	shalt  }
0x7d: {  	_ =	shalt  }
0x7e: {  	_ =	shalt  }
0x7f: {  	_ =	shalt  }
0x80: {  	_ =	shalt  }
0x81: {  	_ =	shalt  }
0x82: {  	_ =	shalt  }
0x83: {  	_ =	shalt  }
0x84: {  	_ =	shalt  }
0x85: {  	_ =	shalt  }
0x86: {  	_ =	shalt  }
0x87: {  	_ =	shalt  }
.Lfunc_end0:
.L_simem_size_0:
called_computation_lowered:
.L_overlay_start_0:
0x88: {  	s0 =	sld [smem:$0x3FD9]  }
0x89: {  	s1 =	sld [smem:$0x3FFE];
	_ =	sdelay $0x3  }
0x8a: {  	s0 =	sadd.s32 s1, s0  }
0x8b: {  	[smem:$0x3FBC] =	sst s0  }
0x8c: {  	_ = 	snop  }
0x8d: {  	(tm) =	ssettm $0x1  }
0x8e: {  	s15 =	sld [smem:$0x3FFB];
	_ =	sdelay $0x3  }
0x8f: {  	_ =	strace s15  }
0x90: {  	s0 =	sld [smem:$0x3FFC];
	_ =	sdelay $0x3  }
0x91: {  	_ =	strace s0  }
0x92: {  	s0 =	sld [smem:$0x3FFD];
	_ =	sdelay $0x3  }
0x93: {  	_ =	strace s0  }
0x94: {  	_ =	strace $0x8FFFFFFF  }
0x95: {  	s16 =	sld [smem:$0x3FDB];
	_ =	sdelay $0x1  }
0x96: {  	s17 =	simm.s32 $_scs_section_size  }
0x97: {  	s2 =	simm.s32 $_size__tile_overlayer_lowered;
	s3 =	simm.s32 $_tile_overlayer_lowered  }
0x98: {  	s20 =	simm.s32 $0x1BFF;
	s19 =	sshll.u32 s3, $0x1;
	s0 =	sadd.s32 s17, s16  }
0x99: {  	s4 =	simm.s32 $0x0;
	s18 =	sshll.u32 s2, $0x1;
	s2 =	sadd.s32 s19, s0  }
0x9a: {  	[timem:s4], [sflag:s20] =	dma.local [hbm:s2], s18  }
0x9b: {  	_ =	swait.ge [sflag:s20], s18  }
0x9c: {  	s1 =	ssub.s32 $0x0, s18;
	[sflag:s20] =	ssyncset.done $0x0  }
0x9d: {  	[sflag:s20] =	ssyncadd.s32 s1;
	_ =	sdelay $0x1  }
0x9e: {  	s21 =	simm.s32 $0x1B8B  }
0x9f: {  	_ =	swait.ge [sflag:s21], $0x1  }
0xa0: {  	[sflag:s21] =	ssyncset.done $0x0  }
0xa1: {  	s23 =	simm.s32 $0x1B8E;
	s22 =	sld [smem:$0x3FFE];
	[sflag:s21] =	ssyncadd.s32 $0xFFFFFFFF  }
0xa2: {  	s24 =	simm.s32 $execute0_lowered;
	[smem:$0x3FD2] =	sst s23  }
0xa3: {  	s2 =	sshll.u32 s24, $0x1;
	_ =	strace $0x80000049;
	[dreg:$0x1] =	wrdreg $0xFFFFFFFF  }
0xa4: {  	s25 =	simm.s32 $_size_execute0_lowered;
	s0 =	sadd.s32 s0, s2;
	[dreg:$0x0] =	wrdreg $0x0  }
0xa5: {  	s2 =	sshll.u32 s25, $0x1;
	[dreg:$0x2] =	wrdreg s0  }
0xa6: {  	[dreg:$0x3] =	wrdreg s2  }
0xa7: {  	[dreg:$0x4] =	wrdreg $0xC0  }
0xa8: {  	_ =	task [dreg:s4], $0x5FFFF  }
0xa9: {  	[dreg:$0x1] =	wrdreg $0xFFFFFFFF  }
0xaa: {  	[dreg:$0x0] =	wrdreg $0x60  }
0xab: {  	[dreg:$0x2] =	wrdreg s22  }
0xac: {  	[dreg:$0x3] =	wrdreg $0x9  }
0xad: {  	_ =	task.clear_ibuf [dreg:s4], $0x4FFFF;
	_ =	strace $0x90000049  }
0xae: {  	s26 =	simm.s32 $0x9;
	_ =	strace $0x8000004B  }
0xaf: {  	_ =	swait.ge [sflag:s26], $0x1  }
0xb0: {  	[sflag:s26] =	ssyncadd.s32 $0xFFFFFFFF  }
0xb1: {  	_ =	strace $0x9000004B  }
0xb2: {  	_ =	sfence  }
0xb3: {  	s28 =	sld [smem:$0x0];
	_ =	sdelay $0x1  }
0xb4: {  	s29 =	srdreg.scid  }
0xb5: {  	s30 =	sshll.u32 s29, $0xD;
	s31 =	sshrl.u32 s29, $0x2  }
0xb6: {  	s1 =	sand.u32 $0x1, s29;
	s2 =	sand.u32 $0x4000, s30;
	s0 =	sadd.s32 s31, s28  }
0xb7: {  	s1 =	sor.u32 s2, s1;
	s0 =	sshll.u32 s0, $0x11  }
0xb8: {  	s0 =	sor.u32 s0, s1  }
0xb9: {  	s0 =	sadd.s32 $0x8F2B, s0  }
0xba: {  	[sflag:s0] =	ssyncadd.remote.s32 $0x1  }
0xbb: {  	_ =	sfence.sel $0xFFFF  }
0xbc: {  	[dreg:$0x0] =	wrdreg $0xFFFFFFFF;
	(pc) =	sbr.abs _section_cstart, $3  }
0xbd: {  	[dreg:$0x1] =	wrdreg $0xFFFFFFFF  }
0xbe: {  	_ =	task.clear_ibuf [dreg:s4], $0x2FFFF;
	_ =	strace $0x9FFFFFFF  }
0xbf: {  	(tm) =	ssettm $0x7FFFFFFF  }
tec
execute0_lowered:
.L_overlay_start_1:
0x0: {  	(tag) =	ssettag $0x1  }
0x1: {  	s0 =	rddreg [dreg:$0x0];
	_ =	strace $0x8000004A;
	s3 =	simm.s32 $0x1  }
0x2: {  	v1 =	vimm.s32 $0xFFFFFFFF;
	[sflag:s3] =	ssyncpa.u1 $0x0  }
0x3: {  	[tilespmem:$0x10] =	vst v1  }
0x4: {  	v0 =	vimm.f32 $0.0e+00;
	[tilespmem:$0x20] =	vst v1  }
0x5: {  	[tilespmem:$0x30] =	vst v0  }
0x6: {  	s2 =	simm.s32 $0x2;
	s26 =	stileid.u32;
	s5 =	simm.s32 $0x7;
	[tilespmem:$0x40] =	vst v0  }
0x7: {  	s7 =	simm.s32 $0x8;
	s31 =	simm.s32 $0x9;
	s14 =	simm.s32 $0x0;
	[tilespmem:$0x50] =	vst v0  }
0x8: {  	s15 =	simm.s32 $0x100;
	s18 =	simm.s32 $0x10;
	s19 =	simm.s32 $0xB20;
	[tilespmem:$0x60] =	vst v1  }
0x9: {  	s20 =	simm.s32 $0xF;
	s21 =	simm.s32 $0x50;
	s22 =	simm.s32 $0x57F;
	[tilespmem:$0x70] =	vst v1  }
0xa: {  	s23 =	simm.s32 $0x20;
	s24 =	simm.s32 $0x30;
	s25 =	simm.s32 $0x9FF;
	[tilespmem:$0x80] =	vst v1  }
0xb: {  	s30 =	simm.s32 $0x0;
	s29 =	simm.s32 $0x0;
	s6 =	smul.u32 $0x120, s26;
	v1 =	vimm.s32 $0x0;
	[tilespmem:$0xB0] =	vst v0  }
.Ltmp0:
0xc: {  	s1 =	sadd.s32 $0x78A00, s0;
	s4 =	sadd.s32 $0x78200, s0;
	[tilespmem:$0x90] =	vst v1;
	(pc) =	sbr.rel .LBB2_1-.Ltmp0, $4  }
0xd: {  	s8 =	sadd.s32 $0x78600, s0;
	s10 =	sshll.u32 s26, $0x1;
	[tilespmem:$0xA0] =	vst v1;
	[sflag:s2] =	ssyncpa.u1 $0x0  }
0xe: {  	s12 =	sshllo.u32 s26, $0x1;
	s26 =	simm.s32 $0x80;
	[sflag:s5] =	ssyncpa.u1 $0x0  }
0xf: {  	vm0 =	vmmov $0xffff;
	v2 =	vlaneseq.u32;
	s11 =	sor.u32 $0x81, s10;
	s13 =	sor.u32 $0x80, s10;
	[sflag:s7] =	ssyncpa.u1 $0x0  }
0x10: {  	vm1 =	vmxor vm1, vm1;
	vm2 =	vmmov $0x1;
	vm3 =	vcmask $0x3F3C;
	s9 =	sadd.s32 $0x120, s6;
	s28 =	smov.u32 s6;
	[sflag:s31] =	ssyncpa.u1 $0x0  }
.LBB2_3:
0x11: {  	s0 =	sshrl.u32 s28, $0x3  }
0x12: {  	s2 =	sand.u32 $0x7, s28;
	s0 =	sadd.s32 s4, s0  }
0x13: {  	[tilespmem:s15], [sflag:$0x7] =	stream.linear.gather [hbm4b:s0+s2], $0x120, $0x38;
	[tilespmem:$0xB40] =	vst v63  }
.LBB2_4:
0x14: {  	s0 =	sadd.s32 $0x120, s28  }
0x15: {  	s2 =	smov.u32 s6;
	s29 =	sadd.s32 $0x1, s29;
	p0 =	slt.s32 s0, s9  }
0x16: {  	s2 =	smov.u32 @p0 s0;
	p0 =	sne.s32 s29, $0x4  }
.Ltmp1:
0x17: {  	_ = 	snop;
	(pc) =	sbr.rel @!p0 .LBB2_13-.Ltmp1, $2  }
0x18: {  	_ =	sdelay $0x2  }
0x19: {  	s30 =	smov.u32 s28;
	s28 =	smov.u32 s2  }
.LBB2_1:
0x1a: {  	p0 =	sgt.s32 s29, $0x1  }
.Ltmp2:
0x1b: {  	_ = 	snop;
	(pc) =	sbr.rel @p0 .LBB2_11-.Ltmp2, $1  }
0x1c: {  	_ =	sdelay $0x3  }
0x1d: {  	p0 =	seq.s32 s29, $0x0  }
.Ltmp3:
0x1e: {  	_ = 	snop;
	(pc) =	sbr.rel @p0 .LBB2_3-.Ltmp3, $1  }
0x1f: {  	_ =	sdelay $0x3  }
0x20: {  	_ =	swait.ge [sflag:s5], $0x120  }
0x21: {  	[sflag:s5] =	ssyncset.done $0x0  }
0x22: {  	[sflag:s5] =	ssyncadd.s32 $0xFFFFFEE0;
	(ifvalue) =	ssetifvalue $0xFFFFFFFF;
	v3 =	vld.msk [tilespmem:s15+$0x0 ss:$0x1], $0xffff;
	_ =	sdelay $0x4  }
0x23: {  	v4 =	vperm.xlane v3, v1  }
0x24: {  	vm4 =	vlt.u32 v3, $0x400  }
0x25: {  	v3 =	vnsel vm4, $0xFFFFFFFE, v3;
	vm4 =	vlt.u32 v4, $0x400  }
0x26: {  	[tilespmem:$0x70] =	vst v3;
	v3 =	vnsel vm4, $0xFFFFFFFE, v4  }
0x27: {  	s17 =	simm.s32 $0x210;
	[tilespmem:$0x80] =	vst v3  }
0x28: {  	v3 =	vld.msk [tilespmem:s17+$0x0 ss:$0x1], $0xffff;
	_ =	sdelay $0x4  }
0x29: {  	(xrf1) =	vunique.msk.u32 $0xffff, v3;
	_ =	sdelay $0xd  }
0x2a: {  	v4 =	vimm.s32 $0xFFFFFFFF;
	v5, _, _ =	vpop (xrf1)  }
0x2b: {  	vm5 =	vne.s32 v3, v4;
	vm4 =	veq.s32 v5, v2  }
0x2c: {  	vm6 =	vlt.u32 v3, $0x400;
	vm4 =	vmand vm5, vm4  }
0x2d: {  	vm4 =	vmand vm6, vm4  }
0x2e: {  	v4 =	vnsel vm4, $0xFFFFFFFF, v3;
	_ =	sdelay $0x3  }
0x2f: {  	s0 =	simm.s32 $0x570;
	(ifvalue) =	ssetifvalue $0xFFFFFFFF  }
0x30: {  	v3 =	vperm.xlane v3, v1;
	[tilespmem:s0], [sflag:$0x8] =	stream.indirect_vreg.gather [hbm4b:s1+s14], $0x1, v4, vm0, $0x4038;
	v4 =	vnsel vm6, $0xFFFFFFFE, v4;
	[tilespmem:$0xB40] =	vst v63  }
0x31: {  	s2 =	simm.s32 $0x0;
	s16 =	simm.s32 $0x200;
	[tilespmem:s17+$0x0] =	vst v4  }
.LBB2_6:
0x32: {  	v4 =	vld.msk [tilespmem:s16+$0x0 ss:$0x1], $0xffff;
	s2 =	sadd.s32 $0x10, s2;
	v5 =	vmov v3;
	s17 =	smov.u32 s16  }
0x33: {  	p0 =	slt.u32 s2, $0x110;
	_ =	sdelay $0x4  }
0x34: {  	v3 =	vperm.xlane v4, v1;
	(xrf1) =	vunique.msk.u32 $0xffff, v4;
	_ =	sdelay $0xd  }
0x35: {  	v6, _, _ =	vpop (xrf1)  }
0x36: {  	vm5 =	vne.s32 v4, v5;
	vm4 =	veq.s32 v6, v2  }
0x37: {  	vm6 =	vlt.u32 v4, $0x400;
	vm4 =	vmand vm5, vm4  }
0x38: {  	vm4 =	vmand vm6, vm4  }
0x39: {  	v4 =	vnsel vm4, $0xFFFFFFFF, v4  }
.Ltmp4:
0x3a: {  	v5 =	vnsel vm6, $0xFFFFFFFE, v4;
	(pc) =	sbr.rel @p0 .LBB2_6-.Ltmp4, $3  }
0x3b: {  	_ =	sdelay $0x1  }
0x3c: {  	s16 =	sadd.s32 $0xFFFFFFF0, s16;
	s0 =	sadd.s32 $0xFFFFFFF0, s0;
	(ifvalue) =	ssetifvalue $0xFFFFFFFF  }
0x3d: {  	[tilespmem:s0], [sflag:$0x8] =	stream.indirect_vreg.gather [hbm4b:s1+s14], $0x1, v4, vm0, $0x4038;
	[tilespmem:s17+$0x0] =	vst v5  }
.Ltmp5:
0x3e: {  	(pc) =	sbr.rel .LBB2_4-.Ltmp5, $4  }
0x3f: {  	_ = 	snop  }
0x40: {  	s0 =	sshrl.u32 s30, $0x3  }
0x41: {  	s2 =	simm.s32 $0x6A0;
	s0 =	sadd.s32 s8, s0  }
0x42: {  	[tilespmem:s2], [sflag:$0x8] =	stream.linear.gather [hbm:s0], $0x120, $0x38;
	[tilespmem:$0xB40] =	vst v63  }
.LBB2_11:
0x43: {  	p0 =	seq.s32 s29, $0x2  }
.Ltmp6:
0x44: {  	_ = 	snop;
	(pc) =	sbr.rel @!p0 .LBB2_12-.Ltmp6, $1  }
0x45: {  	_ =	sdelay $0x3  }
0x46: {  	_ =	swait.ge [sflag:s7], $0x240  }
0x47: {  	[sflag:s7] =	ssyncset.done $0x0  }
0x48: {  	s0 =	simm.s32 $0x21F;
	[sflag:s7] =	ssyncadd.s32 $0xFFFFFDC0  }
0x49: {  	[spmem:s11] =	stream.linear.scatter [tilespmem:s0], [sflag:$0x1], $0x1, $0x38;
	[tilespmem:$0xB40] =	vst v63  }
0x4a: {  	_ =	swait.ge [sflag:s3], $0x1  }
0x4b: {  	[sflag:s3] =	ssyncset.done $0x0  }
0x4c: {  	[sflag:s3] =	ssyncadd.s32 $0xFFFFFFFF  }
0x4d: {  	v4 =	vld [tilespmem:$0x10]  }
0x4e: {  	v5 =	vld [tilespmem:$0x70]  }
0x4f: {  	v3 =	vld [tilespmem:$0x80];
	_ =	sdelay $0x2  }
0x50: {  	(v2sf) =	vpush v4, $0x0  }
0x51: {  	(v2sf) =	vpush v5, $0x0  }
0x52: {  	(v2sf) =	vpush v3, $0x0;
	_ =	sdelay $0xc  }
0x53: {  	s16 =	spop (v2sf)  }
0x54: {  	s2 =	spop (v2sf)  }
0x55: {  	s30 =	spop (v2sf)  }
0x56: {  	p0 =	seq.s32 s16, s2;
	p1 =	seq.s32 s30, s16  }
0x57: {  	p1 =	por p0, p1  }
0x58: {  	v4 =	vpsel p1, $0xFFFFFFFF, v4  }
0x59: {  	[tilespmem:s18+$0x0] =	vst.msk $0x1, v4  }
0x5a: {  	v4 =	vld [tilespmem:$0x30]  }
0x5b: {  	v5 =	vld [tilespmem:$0x6A0]  }
0x5c: {  	v6 =	vld [tilespmem:$0x40];
	_ =	sdelay $0x3  }
0x5d: {  	vm4 =	vmmov vm1;
	v5 =	vadd.f32 v5, v4  }
0x5e: {  	vm5 =	vmmov vm2;
	s31 =	simm.s32 $0x6A0;
	vm4 =	vmmov @p0 vm2;
	v4 =	vadd.f32 v6, v4  }
0x5f: {  	vm5 =	vmmov @p1 vm1;
	[tilespmem:s31+$0x0] =	vst.msk vm4, v5  }
0x60: {  	[tilespmem:s19+$0x0] =	vst.msk vm5, v4  }
0x61: {  	v4 =	vld [tilespmem:$0x570];
	_ =	sdelay $0x3  }
0x62: {  	v5 =	vimm.f32 $0.0e+00  }
0x63: {  	v4 =	vshift.insert v4, v5, s20;
	_ =	sdelay $0x1  }
0x64: {  	[tilespmem:s21+$0x0] =	vst.msk $0x1, v4  }
0x65: {  	[tilespmem:s22+$0x0] =	vst.msk $0x1, v5  }
0x66: {  	v4 =	vld [tilespmem:$0x210];
	_ =	sdelay $0x4  }
0x67: {  	v4 =	vshift.insert v4, v1, s20;
	_ =	sdelay $0x1  }
0x68: {  	[tilespmem:s23+$0x0] =	vst.msk $0x1, v4  }
0x69: {  	s17 =	simm.s32 $0x100;
	v6 =	vld [tilespmem:s31+$0x0]  }
0x6a: {  	v7 =	vld [tilespmem:s17+$0x0];
	_ =	sdelay $0x3  }
0x6b: {  	v5 =	vadd.f32 v6, v5  }
0x6c: {  	vm4 =	vne.s32 v7, $0xFFFFFFFF  }
0x6d: {  	(xrf2) =	vadd.seg.scan.f32 vm4, v5;
	_ =	sdelay $0x3  }
0x6e: {  	s0 =	simm.s32 $0x460;
	v5 =	vperm.xlane v4, v1  }
0x6f: {  	v6 =	vld [tilespmem:s0+$0x0]  }
0x70: {  	vm5 =	veq.s32 v7, v3;
	vm6 =	veq.s32 v7, v5  }
0x71: {  	vm7 =	vgt.u32 v7, $0xFFFFFFFD;
	vm6 =	vmor vm6, vm5  }
0x72: {  	vm6 =	vmor vm6, vm7  }
0x73: {  	v9 =	vld [tilespmem:$0xA0];
	v7 =	vsel vm6, $0xFFFFFFFF, v7  }
0x74: {  	v10 =	vld [tilespmem:$0x90];
	v6 =	vsel vm5, $0x0, v6;
	v8, _, _ =	vpop (xrf2)  }
0x75: {  	v6 =	vadd.f32 v8, v6  }
0x76: {  	s2 =	simm.s32 $0x8E0  }
0x77: {  	vm4 =	vmand vm4, vm3;
	[tilespmem:s2+$0x0] =	vst v6;
	(ifvalue) =	ssetifvalue $0xFFFFFFFF  }
0x78: {  	vm6 =	veq.s32 v9, $0x1;
	[hbm4b:s1+s14] =	stream.indirect_vreg.scatter [tilespmem:s2], [sflag:$0x2], $0x1, v7, vm0, $0x4038;
	v7 =	vsel vm4, $0x0, v8;
	[tilespmem:$0xB40] =	vst v63  }
0x79: {  	s16 =	simm.s32 $0x0;
	s17 =	simm.s32 $0x110;
	vm4 =	vmor vm6, vm5;
	v6 =	vsel vm5, v8, v10;
	v7 =	vshift.insert v7, v0, s20  }
.LBB2_9:
0x7a: {  	v8 =	vld [tilespmem:s17+$0x0];
	s31 =	sadd.s32 $0x10, s31  }
0x7b: {  	s0 =	sadd.s32 $0x10, s0;
	v9 =	vld [tilespmem:s31+$0x0]  }
0x7c: {  	s16 =	sadd.s32 $0x10, s16;
	v10 =	vld [tilespmem:s0+$0x0]  }
0x7d: {  	p0 =	slt.u32 s16, $0x110;
	_ =	sdelay $0x2  }
0x7e: {  	v7 =	vadd.f32 v9, v7  }
0x7f: {  	vm5 =	vne.s32 v8, $0xFFFFFFFF  }
0x80: {  	vm6 =	vmand vm5, vm3;
	(xrf2) =	vadd.seg.scan.f32 vm5, v7;
	_ =	sdelay $0x5  }
0x81: {  	vm7 =	veq.s32 v8, v5;
	vm5 =	veq.s32 v8, v3  }
0x82: {  	vm8 =	vgt.u32 v8, $0xFFFFFFFD;
	vm4 =	vmor vm4, vm5;
	vm7 =	vmor vm7, vm5  }
0x83: {  	vm7 =	vmor vm7, vm8  }
0x84: {  	v8 =	vsel vm7, $0xFFFFFFFF, v8  }
.Ltmp7:
0x85: {  	v7 =	vsel vm5, $0x0, v10;
	v9, _, _ =	vpop (xrf2);
	(pc) =	sbr.rel @p0 .LBB2_9-.Ltmp7, $4  }
0x86: {  	v6 =	vsel vm5, v9, v6;
	v10 =	vadd.f32 v9, v7;
	v7 =	vsel vm6, $0x0, v9  }
0x87: {  	s2 =	sadd.s32 $0x10, s2;
	v7 =	vshift.insert v7, v0, s20  }
0x88: {  	s17 =	sadd.s32 $0x10, s17;
	[tilespmem:s2+$0x0] =	vst v10;
	(ifvalue) =	ssetifvalue $0xFFFFFFFF  }
0x89: {  	[hbm4b:s1+s14] =	stream.indirect_vreg.scatter [tilespmem:s2], [sflag:$0x2], $0x1, v8, vm0, $0x4038;
	[tilespmem:$0xB40] =	vst v63  }
0x8a: {  	v3 =	vld [tilespmem:$0x9F0];
	_ =	sdelay $0x4  }
0x8b: {  	v3 =	vshift.insert v3, v0, s20;
	_ =	sdelay $0x1  }
0x8c: {  	[tilespmem:s24+$0x0] =	vst.msk $0x1, v3  }
0x8d: {  	v3 =	vsel vm4, $0x1, v1;
	[tilespmem:$0x90] =	vst v6  }
0x8e: {  	[tilespmem:$0xA0] =	vst v3  }
0x8f: {  	[spmem:s12] =	stream.linear.scatter [tilespmem:s25], [sflag:$0x1], $0x1, $0x38;
	[tilespmem:$0xB40] =	vst v63  }
0x90: {  	v3 =	vmctz.xlane vm4;
	_ =	swait.ge [sflag:s3], $0x1  }
0x91: {  	(v2sf) =	vpush v4, $0x0  }
0x92: {  	(v2sf) =	vpush v3, $0x0;
	_ =	sdelay $0xd  }
0x93: {  	s0 =	spop (v2sf)  }
0x94: {  	s2 =	spop (v2sf)  }
0x95: {  	[sflag:s3] =	ssyncset.done $0x0;
	p0 =	sne.s32 s30, s0;
	p1 =	slt.s32 s2, $0xF  }
0x96: {  	[sflag:s3] =	ssyncadd.s32 $0xFFFFFFFF;
	v3 =	vimm.s32 @!p0 $0xFFFFFFFF;
	s2 =	simm.s32 @!p1 $0xF  }
0x97: {  	[tilespmem:$0x80] =	vst @!p0 v3;
	s31 =	sadd.s32 $0x90, s2  }
0x98: {  	[spmem:s10] =	stream.linear.scatter [tilespmem:s31], [sflag:$0x1], $0x1, $0x38;
	[tilespmem:$0xB40] =	vst v63  }
0x99: {  	_ =	swait.ge [sflag:s3], $0x1  }
0x9a: {  	[sflag:s3] =	ssyncset.done $0x0  }
0x9b: {  	[sflag:s3] =	ssyncadd.s32 $0xFFFFFFFF  }
0x9c: {  	[spmem:s13] =	stream.linear.scatter [tilespmem:s26], [sflag:$0x1], $0x1, $0x38;
	[tilespmem:$0xB40] =	vst v63  }
0x9d: {  	_ =	swait.ge [sflag:s3], $0x1  }
0x9e: {  	[sflag:s3] =	ssyncset.done $0x0  }
0x9f: {  	[sflag:s3] =	ssyncadd.s32 $0xFFFFFFFF;
	(ifvalue) =	ssetifvalue $0xFFFFFFFF;
	v3 =	vld [tilespmem:$0x10];
	_ =	sdelay $0x3  }
.Ltmp8:
0xa0: {  	_ = 	snop;
	(pc) =	sbr.rel .LBB2_4-.Ltmp8, $3  }
0xa1: {  	_ =	sdelay $0x1  }
0xa2: {  	(ifvalue) =	ssetifvalue $0xFFFFFFFF  }
0xa3: {  	[hbm4b:s1+s14] =	stream.indirect_vreg.scatter [tilespmem:s19], [sflag:$0x9], $0x1, v3, vm0, $0x4038;
	[tilespmem:$0xB40] =	vst v63  }
.LBB2_12:
0xa4: {  	s0 =	simm.s32 $0x2  }
0xa5: {  	_ =	swait.ge [sflag:s0], $0x120  }
0xa6: {  	[sflag:s0] =	ssyncset.done $0x0  }
0xa7: {  	s31 =	simm.s32 $0x9;
	[sflag:s0] =	ssyncadd.s32 $0xFFFFFEE0  }
0xa8: {  	_ =	swait.ge [sflag:s31], $0x10  }
0xa9: {  	[sflag:s31] =	ssyncset.done $0x0  }
0xaa: {  	[sflag:s31] =	ssyncadd.s32 $0xFFFFFFF0  }
.LBB2_13:
0xab: {  	_ =	sfence.sel $0x180000  }
0xac: {  	s0 =	simm.s32 $0x7;
	[bflag:$0x0] =	sbarrier.arrive $0xFFFF  }
0xad: {  	s26 =	simm.s32 $0x8;
	[sflag:s0] =	ssyncpa.u1 $0x1  }
0xae: {  	s28 =	simm.s32 $0x9;
	[sflag:s26] =	ssyncpa.u1 $0x1  }
0xaf: {  	[sflag:s28] =	ssyncpa.u1 $0x1  }
0xb0: {  	_ =	sfence.stream.spmem  }
0xb1: {  	s29 =	simm.s32 $0x3;
	[bflag:$0x0] =	sbarrier.arrive $0xFFFF  }
0xb2: {  	s30 =	simm.s32 $0x4;
	[sflag:s29] =	ssyncpa.u1 $0x1  }
0xb3: {  	s31 =	simm.s32 $0x3C;
	s2 =	stileid.u32;
	[sflag:s30] =	ssyncpa.u1 $0x1  }
0xb4: {  	p0 =	sne.s32 s2, $0x0;
	[sflag:s31] =	ssyncpa.u1 $0x1  }
0xb5: {  	s0 =	simm.s32 @p0 $0x1;
	_ =	sfence @p0  }
0xb6: {  	[sflag:s0] =	ssyncpa.u1 @p0 $0x1;
	s0 =	simm.s32 @p0 $0x2  }
0xb7: {  	[sflag:s0] =	ssyncpa.u1 @p0 $0x1  }
0xb8: {  	_ =	strace @p0 $0x9000004A  }
0xb9: {  	[bflag:$0x2] =	sbarrier.arrive @p0 $0xFFFF  }
0xba: {  	_ =	shalt @p0  }
.LBB2_14:
0xbb: {  	_ =	sfence.stream.spmem;
	s0 =	simm.s32 $0x5  }
0xbc: {  	s2 =	simm.s32 $0x80;
	s3 =	simm.s32 $0xC0;
	[sflag:s0] =	ssyncpa.u1 $0x0  }
0xbd: {  	[tilespmem:s3], [sflag:$0x5] =	stream.linear.gather [spmem:s2], $0x20, $0x38;
	[tilespmem:$0xB40] =	vst v63  }
0xbe: {  	s2 =	simm.s32 $0x0;
	s3 =	simm.s32 $0xE0  }
0xbf: {  	[tilespmem:s3], [sflag:$0x5] =	stream.linear.gather [spmem:s2], $0x20, $0x38;
	[tilespmem:$0xB40] =	vst v63  }
.Ltmp9:
0xc0: {  	_ = 	snop;
	(pc) =	sbr.rel .LBB2_15-.Ltmp9, $4  }
0xc1: {  	_ =	swait.ge [sflag:s0], $0x40  }
0xc2: {  	[sflag:s0] =	ssyncset.done $0x0  }
0xc3: {  	s31 =	simm.s32 $0x6;
	[sflag:s0] =	ssyncadd.s32 $0xFFFFFFC0  }
0xc4: {  	s4 =	simm.s32 $0x0;
	[sflag:s31] =	ssyncpa.u1 $0x0  }
.LBB2_20:
0xc5: {  	p0 =	sgt.u32 s0, $0x3FF  }
0xc6: {  	s5 =	sshrl.u32 @!p0 s0, $0x3  }
0xc7: {  	s0 =	sand.u32 @!p0 $0x7, s0;
	s6 =	simm.s32 @!p0 $0xB0;
	s5 =	sadd.s32 @!p0 s1, s5  }
0xc8: {  	[tilespmem:s6], [sflag:$0x6] =	stream.linear.gather @!p0 [hbm4b:s5+s0], $0x1, $0x38;
	[tilespmem:$0xB40] =	vst v63  }
0xc9: {  	s0 =	simm.s32 @!p0 $0x6  }
0xca: {  	_ =	swait.ge @!p0 [sflag:s0], $0x1  }
0xcb: {  	[sflag:s0] =	ssyncset.done @!p0 $0x0  }
0xcc: {  	[sflag:s0] =	ssyncadd.s32 @!p0 $0xFFFFFFFF  }
0xcd: {  	v2 =	vmov @!p0 s4;
	v1 =	vld.msk @!p0 [tilespmem:$0xB0], $0x1;
	_ =	sdelay $0x3  }
0xce: {  	s0 =	simm.s32 @!p0 $0xE0  }
0xcf: {  	[tilespmem:v2+s0+$0x0], v1 =	vst.idx.ret.add.f32.msk @!p0 $0x1, v1  }
0xd0: {  	[tilespmem:s2+$0xC0] =	vst.msk $0x1, v0  }
0xd1: {  	v0 =	vld.msk [tilespmem:s4+$0xE0], $0x1;
	_ =	sdelay $0x4  }
0xd2: {  	[tilespmem:s2+$0xE0] =	vst.msk $0x1, v0;
	s2 =	sadd.s32 $0x1, s2  }
.LBB2_22:
0xd3: {  	s4 =	sadd.s32 $0x1, s4  }
0xd4: {  	p0 =	sne.s32 s4, $0x20  }
.Ltmp10:
0xd5: {  	_ = 	snop;
	(pc) =	sbr.rel @!p0 .LBB2_23-.Ltmp10, $1  }
0xd6: {  	_ =	sdelay $0x3  }
.LBB2_15:
0xd7: {  	v0 =	vld.msk [tilespmem:s4+$0xC0], $0x1;
	_ =	sdelay $0x4  }
0xd8: {  	(v2sf) =	vpush v0, $0x0;
	_ =	sdelay $0xe  }
0xd9: {  	s0 =	spop (v2sf)  }
0xda: {  	p0 =	seq.s32 s0, $0xFFFFFFFF  }
.Ltmp11:
0xdb: {  	_ = 	snop;
	(pc) =	sbr.rel @p0 .LBB2_22-.Ltmp11, $1  }
0xdc: {  	_ =	sdelay $0x3  }
0xdd: {  	p0 =	slt.s32 s2, $0x1  }
.Ltmp12:
0xde: {  	_ = 	snop;
	(pc) =	sbr.rel @p0 .LBB2_20-.Ltmp12, $1  }
0xdf: {  	_ =	sdelay $0x3  }
0xe0: {  	s5 =	simm.s32 $0xC0;
	p0 =	por $0x0, $0x0  }
0xe1: {  	v1 =	vld.msk @!p0 [tilespmem:s5+$0x0], $0x1;
	_ =	sdelay $0x4  }
0xe2: {  	(v2sf) =	vpush @!p0 v1, $0x0;
	_ =	sdelay $0xd  }
0xe3: {  	p2 =	sne.s32 s2, $0x1  }
.Ltmp13:
0xe4: {  	s6 =	spop @!p0 (v2sf);
	(pc) =	sbr.rel @!p2 .LBB2_19-.Ltmp13, $4  }
0xe5: {  	p1 =	seq.s32 @!p0 s0, s6  }
0xe6: {  	s6 =	simm.s32 $0x0;
	p1 =	por !p1, p0  }
0xe7: {  	s8 =	simm.s32 $0xFFFFFFFF;
	s6 =	simm.s32 @p1 $0xFFFFFFFF  }
0xe8: {  	s7 =	simm.s32 $0x1;
	s6 =	smov.u32 @p0 s8  }
.LBB2_18:
0xe9: {  	s8 =	smov.u32 s6;
	p0 =	sne.s32 s6, $0xFFFFFFFF  }
0xea: {  	s5 =	sadd.s32 $0x1, s5;
	s6 =	smov.u32 s7;
	s7 =	sadd.s32 $0x1, s7  }
0xeb: {  	p1 =	sne.s32 s2, s7;
	v1 =	vld.msk @!p0 [tilespmem:s5+$0x0], $0x1;
	_ =	sdelay $0x4  }
0xec: {  	(v2sf) =	vpush @!p0 v1, $0x0;
	_ =	sdelay $0xe  }
.Ltmp14:
0xed: {  	s9 =	spop @!p0 (v2sf);
	(pc) =	sbr.rel @p1 .LBB2_18-.Ltmp14, $4  }
0xee: {  	p2 =	seq.s32 @!p0 s0, s9  }
0xef: {  	p2 =	por !p2, p0  }
0xf0: {  	s6 =	simm.s32 @p2 $0xFFFFFFFF  }
0xf1: {  	s6 =	smov.u32 @p0 s8  }
.LBB2_19:
0xf2: {  	p0 =	sne.s32 s6, $0xFFFFFFFF  }
.Ltmp15:
0xf3: {  	_ = 	snop;
	(pc) =	sbr.rel @!p0 .LBB2_20-.Ltmp15, $1  }
0xf4: {  	_ =	sdelay $0x3  }
0xf5: {  	v0 =	vld.msk [tilespmem:s4+$0xE0], $0x1;
	v1 =	vmov s6  }
.Ltmp16:
0xf6: {  	_ = 	snop;
	(pc) =	sbr.rel .LBB2_22-.Ltmp16, $2  }
0xf7: {  	_ =	sdelay $0x2  }
0xf8: {  	[tilespmem:v1+s3+$0x0], v0 =	vst.idx.ret.add.f32.msk $0x1, v0  }
.LBB2_23:
0xf9: {  	p0 =	slt.s32 s2, $0x1  }
.Ltmp17:
0xfa: {  	_ = 	snop;
	(pc) =	sbr.rel @p0 .LBB2_27-.Ltmp17, $3  }
0xfb: {  	_ =	sdelay $0x1  }
0xfc: {  	s0 =	simm.s32 $0x6  }
0xfd: {  	[sflag:s0] =	ssyncpa.u1 $0x1;
	s0 =	simm.s32 $0x0  }
0xfe: {  	s3 =	simm.s32 $0xC0  }
0xff: {  	v0 =	vld.msk [tilespmem:s3+$0x0], $0x1;
	_ =	sdelay $0x4  }
0x100: {  	(v2sf) =	vpush v0, $0x0;
	_ =	sdelay $0xe  }
0x101: {  	s2 =	sadd.s32 $0xFFFFFFFF, s2;
	s4 =	spop (v2sf)  }
0x102: {  	p1 =	sne.s32 s2, $0x0;
	p0 =	sgt.u32 s4, $0x3FF  }
.Ltmp18:
0x103: {  	s5 =	sshrl.u32 @!p0 s4, $0x3;
	(pc) =	sbr.rel @!p1 .LBB2_26-.Ltmp18, $4  }
0x104: {  	s3 =	simm.s32 $0xE0;
	s4 =	sand.u32 @!p0 $0x7, s4;
	s5 =	sadd.s32 @!p0 s1, s5  }
0x105: {  	[hbm4b:s5+s4] =	stream.linear.scatter @!p0 [tilespmem:s3], [sflag:$0x5], $0x1, $0x38;
	[tilespmem:$0xB40] =	vst v63  }
0x106: {  	s5 =	simm.s32 $0x0  }
0x107: {  	s4 =	simm.s32 $0xC1;
	s5 =	simm.s32 @!p0 $0x4  }
.LBB2_25:
0x108: {  	v0 =	vld.msk [tilespmem:s4+$0x0], $0x1;
	s2 =	sadd.s32 $0xFFFFFFFF, s2;
	s0 =	sadd.s32 s0, s5  }
0x109: {  	p0 =	sne.s32 s2, $0x0;
	_ =	sdelay $0x3  }
0x10a: {  	(v2sf) =	vpush v0, $0x0;
	_ =	sdelay $0xe  }
.Ltmp19:
0x10b: {  	s6 =	spop (v2sf);
	(pc) =	sbr.rel @p0 .LBB2_25-.Ltmp19, $4  }
0x10c: {  	s5 =	simm.s32 $0x0;
	p1 =	sgt.u32 s6, $0x3FF  }
0x10d: {  	s3 =	sadd.s32 $0x1, s3;
	s5 =	simm.s32 @!p1 $0x4;
	s7 =	sshrl.u32 @!p1 s6, $0x3  }
0x10e: {  	s4 =	sadd.s32 $0x1, s4;
	s6 =	sand.u32 @!p1 $0x7, s6;
	s7 =	sadd.s32 @!p1 s1, s7  }
0x10f: {  	[hbm4b:s7+s6] =	stream.linear.scatter @!p1 [tilespmem:s3], [sflag:$0x5], $0x1, $0x38;
	[tilespmem:$0xB40] =	vst v63  }
.LBB2_26:
0x110: {  	s0 =	sadd.s32 s0, s5  }
0x111: {  	s0 =	sshrl.u32 s0, $0x2  }
.LBB2_27:
0x112: {  	s1 =	simm.s32 $0x5  }
0x113: {  	_ =	swait.ge [sflag:s1], s0  }
0x114: {  	s28 =	ssub.s32 $0x0, s0;
	[sflag:s1] =	ssyncset.done $0x0  }
0x115: {  	[sflag:s1] =	ssyncadd.s32 s28  }
0x116: {  	[sflag:s1] =	ssyncpa.u1 $0x1  }
0x117: {  	s29 =	simm.s32 $0x1;
	_ =	sfence  }
0x118: {  	s30 =	simm.s32 $0x2;
	[sflag:s29] =	ssyncpa.u1 $0x1  }
0x119: {  	[sflag:s30] =	ssyncpa.u1 $0x1  }
0x11a: {  	_ =	strace $0x9000004A  }
0x11b: {  	[bflag:$0x2] =	sbarrier.arrive $0xFFFF  }
0x11c: {  	s31 =	rddreg [dreg:$0x1]  }
0x11d: {  	s0 =	sadd.s32 $0x100000, s31  }
0x11e: {  	[sflag:s0] =	ssyncadd.tile.s32 $0x1;
	_ =	shalt  }
.Lfunc_end2:
_tile_overlayer_lowered:
.L_overlay_start_2:
0x11f: {  	(tag) =	ssettag $0x2  }
0x120: {  	s0 =	rddreg [dreg:$0x0];
	s2 =	stileid.u32  }
0x121: {  	s1 =	rddreg [dreg:$0x1];
	p0 =	sne.s32 s2, $0x0  }
0x122: {  	s3 =	rddreg [dreg:$0x2];
	[bflag:$0x3] =	sbarrier.arrive $0xFFFF;
	s2 =	simm.s32 @!p0 $0x1C01  }
0x123: {  	[timem:s3], [sflag:s2] =	dma.local @!p0 [hbm:s0], s1  }
0x124: {  	s0 =	simm.s32 @!p0 $0x1  }
0x125: {  	_ =	swait.ge @!p0 [sflag:s0], s1  }
0x126: {  	s1 =	ssub.s32 @!p0 $0x0, s1;
	[sflag:s0] =	ssyncset.done @!p0 $0x0  }
0x127: {  	[sflag:s0] =	ssyncadd.s32 @!p0 s1  }
0x128: {  	[bflag:$0x3] =	sbarrier.arrive $0xFFFF  }
0x129: {  	_ =	shalt  }

</sc_bundles>
